<compile_context>
chip_gen: v7x
topology: tpu7x:2x2x1
jax: 0.10.2.dev20260603
libtpu: 0.0.44.dev20260713+nightly
codegen_flags: <defaults>
</compile_context>

<pallas_src>
import dataclasses
import functools

import jax
import jax.numpy as jnp
from jax import lax
from jax.experimental import pallas as pl
from jax.experimental.pallas import tpu as pltpu
from jax.experimental.pallas import tpu_sc as plsc

_ROWS = 200
_COLS = 16384
_NUM_WORKERS = 32
_COLS_W = _COLS // _NUM_WORKERS
_CC = 128
_NCH = _COLS_W // _CC

_mesh = plsc.VectorSubcoreMesh(core_axis_name="c", subcore_axis_name="s")

_cp = pltpu.CompilerParams()
if "needs_layout_passes" in pltpu.CompilerParams.__dataclass_fields__:
    _cp = dataclasses.replace(_cp, needs_layout_passes=False)
_cp = dataclasses.replace(_cp, use_tc_tiling_on_sc=True)


@functools.partial(
    pl.kernel,
    out_type=jax.ShapeDtypeStruct((_ROWS, _COLS), jnp.float32),
    mesh=_mesh,
    compiler_params=_cp,
    scratch_types=[
        pltpu.VMEM((_ROWS, _CC), jnp.float32),
        pltpu.VMEM((_ROWS, _CC), jnp.float32),
        pltpu.VMEM((_ROWS, _CC), jnp.float32),
        pltpu.VMEM((_ROWS, _CC), jnp.float32),
        pltpu.VMEM((24,), jnp.float32),
        pltpu.SemaphoreType.DMA,
        pltpu.SemaphoreType.DMA,
        pltpu.SemaphoreType.DMA,
        pltpu.SemaphoreType.DMA,
    ],
)
def _step_lookup(x_hbm, tab_hbm, out_hbm, inb0, inb1, outb0, outb1, tab_v,
                 in_sem0, in_sem1, out_sem0, out_sem1):
    wid = lax.axis_index("c") * 16 + lax.axis_index("s")
    base = wid * _COLS_W
    in_bufs = (inb0, inb1)
    out_bufs = (outb0, outb1)
    in_sems = (in_sem0, in_sem1)
    out_sems = (out_sem0, out_sem1)

    def in_copy(g, b):
        return pltpu.make_async_copy(
            x_hbm.at[:, pl.ds(base + g * _CC, _CC)], in_bufs[b], in_sems[b])

    def out_copy(g, b):
        return pltpu.make_async_copy(
            out_bufs[b], out_hbm.at[:, pl.ds(base + g * _CC, _CC)],
            out_sems[b])

    in_copy(0, 0).start()
    in_copy(1, 1).start()
    pltpu.sync_copy(tab_hbm, tab_v.at[pl.ds(0, 17)])

    @pl.loop(0, _NCH, step=2)
    def _(g0):
        for p in range(2):
            g = g0 + p
            in_copy(g, p).wait()

            @pl.when(g >= 2)
            def _():
                out_copy(g - 2, p).wait()

            ib = in_bufs[p]
            ob = out_bufs[p]

            t16 = tab_v[pl.ds(0, 16)]
            t_hi = plsc.load_gather(
                tab_v, [jnp.full((16,), 16, jnp.int32)])

            @plsc.parallel_loop(0, _ROWS, step=1)
            def _(r, _ib=ib, _ob=ob, _t16=t16, _t_hi=t_hi):
                for w, c in enumerate(range(0, _CC, 16)):
                    v = _ib[r, pl.ds(c, 16)]
                    vc = jnp.minimum(jnp.maximum(v, -8.0), 8.0)
                    idx = (vc + 8.0).astype(jnp.int32)
                    if w % 8 < 4:
                        res = plsc.load_gather(tab_v, [idx])
                    else:
                        g16 = lax.gather(
                            _t16, (idx & 15)[:, None],
                            lax.GatherDimensionNumbers(
                                offset_dims=(),
                                collapsed_slice_dims=(0,),
                                start_index_map=(0,)),
                            slice_sizes=(1,),
                            mode=lax.GatherScatterMode.PROMISE_IN_BOUNDS)
                        res = jnp.where(idx == 16, _t_hi, g16)
                    _ob[r, pl.ds(c, 16)] = res

            out_copy(g, p).start()

            @pl.when(g + 2 < _NCH)
            def _():
                in_copy(g + 2, p).start()

    out_copy(_NCH - 2, 0).wait()
    out_copy(_NCH - 1, 1).wait()


@jax.jit
def kernel(x, function_values):
    return _step_lookup(x.T, function_values).T

# --- scband reference (transcript-rebuilt; emitter-appended) ---
"""Pipeline reference for scband-step-function-79182017069194 (READ-ONLY COPY).

The authoritative reference and input builder live on the scoring server;
editing this copy changes nothing except your own understanding.
"""

import jax, jax.numpy as jnp
import numpy as np

START = -8
STOP = 8

def setup_inputs(seed: int = 0) -> dict:
    key = jax.random.key(seed)
    k1, k2 = jax.random.split(key)
    # randn scaled so values span the clamp range [-8, 8] with some clipping at the edges
    x = jax.random.normal(k1, (16384, 200), dtype=jnp.float32) * 4.0
    # learned parameter: function_values, shape [stop - start + 1] = [17]
    function_values = jnp.ones((STOP - START + 1,), dtype=jnp.float32)
    return {"x": x, "function_values": function_values}

def reference(x, function_values):
    # clamp x to [start, stop]
    xc = jnp.minimum(jnp.maximum(x, jnp.float32(START)), jnp.float32(STOP))
    # integer index into the step-function table (truncation toward zero, same as torch .to(torch.int) for non-negative values)
    idx = (xc - START).astype(jnp.int32)
    # gather: table lookup
    return jnp.take(function_values, idx, axis=0)

if __name__ == "__main__":
    import jax
    _d = setup_inputs()
    print(jax.jit(kernel)(*tuple(_d.values())))

</pallas_src>

<mosaic_0001>
#map = affine_map<(d0, d1) -> (0, 0)>
#map1 = affine_map<(d0, d1) -> (0)>
module attributes {stable_mosaic.version = 14 : i64} {
  func.func @_step_lookup(%arg0: i32, %arg1: i32, %arg2: memref<200x16384xf32, #tpu.memory_space<hbm>>, %arg3: memref<17xf32, #tpu.memory_space<hbm>>, %arg4: memref<200x16384xf32, #tpu.memory_space<hbm>>, %arg5: memref<200x128xf32, #tpu.memory_space<vmem>>, %arg6: memref<200x128xf32, #tpu.memory_space<vmem>>, %arg7: memref<200x128xf32, #tpu.memory_space<vmem>>, %arg8: memref<200x128xf32, #tpu.memory_space<vmem>>, %arg9: memref<24xf32, #tpu.memory_space<vmem>>, %arg10: memref<!tpu.dma_semaphore, #tpu.memory_space<semaphore_mem>>, %arg11: memref<!tpu.dma_semaphore, #tpu.memory_space<semaphore_mem>>, %arg12: memref<!tpu.dma_semaphore, #tpu.memory_space<semaphore_mem>>, %arg13: memref<!tpu.dma_semaphore, #tpu.memory_space<semaphore_mem>>) attributes {dimension_semantics = [#tpu.dimension_semantics<core_parallel>, #tpu.dimension_semantics<subcore_parallel>], iteration_bounds = array<i64: 2, 16>, scalar_prefetch = 0 : i64, scratch_operands = 9 : i64, tpu.core_type = #tpu.core_type<sc_vector_subcore>, window_params = [{transform_indices = #map}, {transform_indices = #map1}, {transform_indices = #map}]} {
    %mul3A = arith.constant 16 : i32
    %mul3A_0 = arith.muli %arg0, %mul3A : i32
    %add3A = arith.addi %mul3A_0, %arg1 : i32
    %mul3A_1 = arith.constant 512 : i32
    %mul3A_2 = arith.muli %add3A, %mul3A_1 : i32
    %add3A_3 = arith.constant 0 : i32
    %add3A_4 = arith.addi %mul3A_2, %add3A_3 : i32
    %dma_start3A = arith.constant 0 : i32
    %dma_start3A_5 = tpu.memref_slice %arg2[%dma_start3A, %add3A_4] : memref<200x16384xf32, #tpu.memory_space<hbm>> -> memref<200x128xf32, #tpu.memory_space<hbm>>
    %dma_start3A_6 = arith.constant 0 : i32
    %dma_start3A_7 = tpu.memref_slice %arg2[%dma_start3A_6, %add3A_4] : memref<200x16384xf32, #tpu.memory_space<hbm>> -> memref<200x128xf32, #tpu.memory_space<hbm>>
    tpu.enqueue_dma source(%dma_start3A_7 : memref<200x128xf32, #tpu.memory_space<hbm>>) target(%arg5 : memref<200x128xf32, #tpu.memory_space<vmem>>) target_semaphore(%arg10 : memref<!tpu.dma_semaphore, #tpu.memory_space<semaphore_mem>>)
    %add3A_8 = arith.constant 128 : i32
    %add3A_9 = arith.addi %mul3A_2, %add3A_8 : i32
    %dma_start3A_10 = arith.constant 0 : i32
    %dma_start3A_11 = tpu.memref_slice %arg2[%dma_start3A_10, %add3A_9] : memref<200x16384xf32, #tpu.memory_space<hbm>> -> memref<200x128xf32, #tpu.memory_space<hbm>>
    %dma_start3A_12 = arith.constant 0 : i32
    %dma_start3A_13 = tpu.memref_slice %arg2[%dma_start3A_12, %add3A_9] : memref<200x16384xf32, #tpu.memory_space<hbm>> -> memref<200x128xf32, #tpu.memory_space<hbm>>
    tpu.enqueue_dma source(%dma_start3A_13 : memref<200x128xf32, #tpu.memory_space<hbm>>) target(%arg6 : memref<200x128xf32, #tpu.memory_space<vmem>>) target_semaphore(%arg11 : memref<!tpu.dma_semaphore, #tpu.memory_space<semaphore_mem>>)
    "tpu.region"() ({
      %run_scoped3A = tpu.sem_alloc : memref<!tpu.dma_semaphore, #tpu.memory_space<semaphore_mem>>
      %dma_start3A_29 = arith.constant 0 : i32
      %dma_start3A_30 = tpu.memref_slice %arg9[%dma_start3A_29] : memref<24xf32, #tpu.memory_space<vmem>> -> memref<17xf32, #tpu.memory_space<vmem>>
      %dma_start3A_31 = arith.constant 0 : i32
      %dma_start3A_32 = tpu.memref_slice %arg9[%dma_start3A_31] : memref<24xf32, #tpu.memory_space<vmem>> -> memref<17xf32, #tpu.memory_space<vmem>>
      tpu.enqueue_dma source(%arg3 : memref<17xf32, #tpu.memory_space<hbm>>) target(%dma_start3A_32 : memref<17xf32, #tpu.memory_space<vmem>>) target_semaphore(%run_scoped3A : memref<!tpu.dma_semaphore, #tpu.memory_space<semaphore_mem>>)
      %dma_wait3A_33 = arith.constant 0 : i32
      %dma_wait3A_34 = tpu.memref_slice %arg9[%dma_wait3A_33] : memref<24xf32, #tpu.memory_space<vmem>> -> memref<17xf32, #tpu.memory_space<vmem>>
      %dma_wait3A_35 = arith.constant 0 : i32
      %dma_wait3A_36 = tpu.memref_slice %arg9[%dma_wait3A_35] : memref<24xf32, #tpu.memory_space<vmem>> -> memref<17xf32, #tpu.memory_space<vmem>>
      tpu.wait_dma2 semaphore(%run_scoped3A : memref<!tpu.dma_semaphore, #tpu.memory_space<semaphore_mem>>) src(%arg3 : memref<17xf32, #tpu.memory_space<hbm>>) dst(%dma_wait3A_36 : memref<17xf32, #tpu.memory_space<vmem>>)
      tpu.yield
    }) : () -> ()
    %scan3A = arith.constant 0 : i32
    %scan3A_14 = arith.constant 2 : i32
    %scan3A_15 = arith.addi %scan3A, %scan3A_14 : i32
    %scan3A_16 = arith.constant 1 : i32
    scf.for %scan3A_29 = %scan3A to %scan3A_15 step %scan3A_16  : i32 {
      %mul3A_30 = arith.constant 2 : i32
      %mul3A_31 = arith.muli %scan3A_29, %mul3A_30 : i32
      %add3A_32 = arith.constant 0 : i32
      %add3A_33 = arith.addi %add3A_32, %mul3A_31 : i32
      %add3A_34 = arith.constant 0 : i32
      %add3A_35 = arith.addi %add3A_33, %add3A_34 : i32
      %mul3A_36 = arith.constant 128 : i32
      %mul3A_37 = arith.muli %add3A_35, %mul3A_36 : i32
      %add3A_38 = arith.addi %mul3A_2, %mul3A_37 : i32
      %dma_wait3A_39 = arith.constant 0 : i32
      %dma_wait3A_40 = tpu.memref_slice %arg2[%dma_wait3A_39, %add3A_38] : memref<200x16384xf32, #tpu.memory_space<hbm>> -> memref<200x128xf32, #tpu.memory_space<hbm>>
      %dma_wait3A_41 = arith.constant 0 : i32
      %dma_wait3A_42 = tpu.memref_slice %arg2[%dma_wait3A_41, %add3A_38] : memref<200x16384xf32, #tpu.memory_space<hbm>> -> memref<200x128xf32, #tpu.memory_space<hbm>>
      tpu.wait_dma2 semaphore(%arg10 : memref<!tpu.dma_semaphore, #tpu.memory_space<semaphore_mem>>) src(%dma_wait3A_42 : memref<200x128xf32, #tpu.memory_space<hbm>>) dst(%arg5 : memref<200x128xf32, #tpu.memory_space<vmem>>)
      %ge3A = arith.constant 2 : i32
      %ge3A_43 = arith.cmpi sge, %add3A_35, %ge3A : i32
      %convert_element_type3A = arith.extui %ge3A_43 : i1 to i32
      %cond3A = arith.constant 0 : i32
      %cond3A_44 = arith.cmpi ne, %convert_element_type3A, %cond3A : i32
      scf.if %cond3A_44 {
        %sub3A = arith.constant 2 : i32
        %sub3A_98 = arith.subi %add3A_35, %sub3A : i32
        %mul3A_99 = arith.constant 128 : i32
        %mul3A_100 = arith.muli %sub3A_98, %mul3A_99 : i32
        %add3A_101 = arith.addi %mul3A_2, %mul3A_100 : i32
        %dma_wait3A_102 = arith.constant 0 : i32
        %dma_wait3A_103 = tpu.memref_slice %arg4[%dma_wait3A_102, %add3A_101] : memref<200x16384xf32, #tpu.memory_space<hbm>> -> memref<200x128xf32, #tpu.memory_space<hbm>>
        %dma_wait3A_104 = arith.constant 0 : i32
        %dma_wait3A_105 = tpu.memref_slice %arg4[%dma_wait3A_104, %add3A_101] : memref<200x16384xf32, #tpu.memory_space<hbm>> -> memref<200x128xf32, #tpu.memory_space<hbm>>
        tpu.wait_dma2 semaphore(%arg12 : memref<!tpu.dma_semaphore, #tpu.memory_space<semaphore_mem>>) src(%arg7 : memref<200x128xf32, #tpu.memory_space<vmem>>) dst(%dma_wait3A_105 : memref<200x128xf32, #tpu.memory_space<hbm>>)
      } else {
      }
      %get3A = arith.constant 0 : index
      %get3A_45 = tpu.vector_load %arg9[%get3A] {strides = array<i32>} : memref<24xf32, #tpu.memory_space<vmem>>, vector<16xf32>,
      %broadcast_in_dim3A = arith.constant 16 : i32
      %broadcast_in_dim3A_46 = vector.broadcast %broadcast_in_dim3A : i32 to vector<16xi32>
      %gather3A = tpu.vector_load_idx %arg9[%broadcast_in_dim3A_46] : memref<24xf32, #tpu.memory_space<vmem>>[vector<16xi32>], vector<16xf32>,
      %parallel_loop3A = arith.constant 0 : i32
      %parallel_loop3A_47 = arith.constant 200 : i32
      %parallel_loop3A_48 = arith.constant 1 : i32
      scf.for %parallel_loop3A_98 = %parallel_loop3A to %parallel_loop3A_47 step %parallel_loop3A_48  : i32 {
        %parallel_loop3A_99 = arith.index_cast %parallel_loop3A_98 : i32 to index
        %parallel_loop3A_100 = arith.constant 0 : index
        %parallel_loop3A_101 = tpu.vector_load %arg5[%parallel_loop3A_99, %parallel_loop3A_100] {strides = array<i32>} : memref<200x128xf32, #tpu.memory_space<vmem>>, vector<16xf32>,
        %parallel_loop3A_102 = arith.constant -8.000000e+00 : f32
        %parallel_loop3A_103 = vector.broadcast %parallel_loop3A_102 : f32 to vector<16xf32>
        %parallel_loop3A_104 = arith.maximumf %parallel_loop3A_101, %parallel_loop3A_103 : vector<16xf32>
        %parallel_loop3A_105 = arith.constant 8.000000e+00 : f32
        %parallel_loop3A_106 = vector.broadcast %parallel_loop3A_105 : f32 to vector<16xf32>
        %parallel_loop3A_107 = arith.minimumf %parallel_loop3A_104, %parallel_loop3A_106 : vector<16xf32>
        %parallel_loop3A_108 = arith.constant 8.000000e+00 : f32
        %parallel_loop3A_109 = vector.broadcast %parallel_loop3A_108 : f32 to vector<16xf32>
        %parallel_loop3A_110 = arith.addf %parallel_loop3A_107, %parallel_loop3A_109 : vector<16xf32>
        %parallel_loop3A_111 = arith.fptosi %parallel_loop3A_110 : vector<16xf32> to vector<16xi32>
        %parallel_loop3A_112 = tpu.vector_load_idx %arg9[%parallel_loop3A_111] : memref<24xf32, #tpu.memory_space<vmem>>[vector<16xi32>], vector<16xf32>,
        %parallel_loop3A_113 = arith.index_cast %parallel_loop3A_98 : i32 to index
        %parallel_loop3A_114 = arith.constant 0 : index
        %parallel_loop3A_115 = tpu.vector_load %arg7[%parallel_loop3A_113, %parallel_loop3A_114] {strides = array<i32>} : memref<200x128xf32, #tpu.memory_space<vmem>>, vector<16xf32>,
        tpu.vector_store %arg7[%parallel_loop3A_113, %parallel_loop3A_114], %parallel_loop3A_112 {strides = array<i32>} : memref<200x128xf32, #tpu.memory_space<vmem>>, vector<16xf32>,
        %parallel_loop3A_116 = arith.index_cast %parallel_loop3A_98 : i32 to index
        %parallel_loop3A_117 = arith.constant 16 : index
        %parallel_loop3A_118 = tpu.vector_load %arg5[%parallel_loop3A_116, %parallel_loop3A_117] {strides = array<i32>} : memref<200x128xf32, #tpu.memory_space<vmem>>, vector<16xf32>,
        %parallel_loop3A_119 = arith.constant -8.000000e+00 : f32
        %parallel_loop3A_120 = vector.broadcast %parallel_loop3A_119 : f32 to vector<16xf32>
        %parallel_loop3A_121 = arith.maximumf %parallel_loop3A_118, %parallel_loop3A_120 : vector<16xf32>
        %parallel_loop3A_122 = arith.constant 8.000000e+00 : f32
        %parallel_loop3A_123 = vector.broadcast %parallel_loop3A_122 : f32 to vector<16xf32>
        %parallel_loop3A_124 = arith.minimumf %parallel_loop3A_121, %parallel_loop3A_123 : vector<16xf32>
        %parallel_loop3A_125 = arith.constant 8.000000e+00 : f32
        %parallel_loop3A_126 = vector.broadcast %parallel_loop3A_125 : f32 to vector<16xf32>
        %parallel_loop3A_127 = arith.addf %parallel_loop3A_124, %parallel_loop3A_126 : vector<16xf32>
        %parallel_loop3A_128 = arith.fptosi %parallel_loop3A_127 : vector<16xf32> to vector<16xi32>
        %parallel_loop3A_129 = tpu.vector_load_idx %arg9[%parallel_loop3A_128] : memref<24xf32, #tpu.memory_space<vmem>>[vector<16xi32>], vector<16xf32>,
        %parallel_loop3A_130 = arith.index_cast %parallel_loop3A_98 : i32 to index
        %parallel_loop3A_131 = arith.constant 16 : index
        %parallel_loop3A_132 = tpu.vector_load %arg7[%parallel_loop3A_130, %parallel_loop3A_131] {strides = array<i32>} : memref<200x128xf32, #tpu.memory_space<vmem>>, vector<16xf32>,
        tpu.vector_store %arg7[%parallel_loop3A_130, %parallel_loop3A_131], %parallel_loop3A_129 {strides = array<i32>} : memref<200x128xf32, #tpu.memory_space<vmem>>, vector<16xf32>,
        %parallel_loop3A_133 = arith.index_cast %parallel_loop3A_98 : i32 to index
        %parallel_loop3A_134 = arith.constant 32 : index
        %parallel_loop3A_135 = tpu.vector_load %arg5[%parallel_loop3A_133, %parallel_loop3A_134] {strides = array<i32>} : memref<200x128xf32, #tpu.memory_space<vmem>>, vector<16xf32>,
        %parallel_loop3A_136 = arith.constant -8.000000e+00 : f32
        %parallel_loop3A_137 = vector.broadcast %parallel_loop3A_136 : f32 to vector<16xf32>
        %parallel_loop3A_138 = arith.maximumf %parallel_loop3A_135, %parallel_loop3A_137 : vector<16xf32>
        %parallel_loop3A_139 = arith.constant 8.000000e+00 : f32
        %parallel_loop3A_140 = vector.broadcast %parallel_loop3A_139 : f32 to vector<16xf32>
        %parallel_loop3A_141 = arith.minimumf %parallel_loop3A_138, %parallel_loop3A_140 : vector<16xf32>
        %parallel_loop3A_142 = arith.constant 8.000000e+00 : f32
        %parallel_loop3A_143 = vector.broadcast %parallel_loop3A_142 : f32 to vector<16xf32>
        %parallel_loop3A_144 = arith.addf %parallel_loop3A_141, %parallel_loop3A_143 : vector<16xf32>
        %parallel_loop3A_145 = arith.fptosi %parallel_loop3A_144 : vector<16xf32> to vector<16xi32>
        %parallel_loop3A_146 = tpu.vector_load_idx %arg9[%parallel_loop3A_145] : memref<24xf32, #tpu.memory_space<vmem>>[vector<16xi32>], vector<16xf32>,
        %parallel_loop3A_147 = arith.index_cast %parallel_loop3A_98 : i32 to index
        %parallel_loop3A_148 = arith.constant 32 : index
        %parallel_loop3A_149 = tpu.vector_load %arg7[%parallel_loop3A_147, %parallel_loop3A_148] {strides = array<i32>} : memref<200x128xf32, #tpu.memory_space<vmem>>, vector<16xf32>,
        tpu.vector_store %arg7[%parallel_loop3A_147, %parallel_loop3A_148], %parallel_loop3A_146 {strides = array<i32>} : memref<200x128xf32, #tpu.memory_space<vmem>>, vector<16xf32>,
        %parallel_loop3A_150 = arith.index_cast %parallel_loop3A_98 : i32 to index
        %parallel_loop3A_151 = arith.constant 48 : index
        %parallel_loop3A_152 = tpu.vector_load %arg5[%parallel_loop3A_150, %parallel_loop3A_151] {strides = array<i32>} : memref<200x128xf32, #tpu.memory_space<vmem>>, vector<16xf32>,
        %parallel_loop3A_153 = arith.constant -8.000000e+00 : f32
        %parallel_loop3A_154 = vector.broadcast %parallel_loop3A_153 : f32 to vector<16xf32>
        %parallel_loop3A_155 = arith.maximumf %parallel_loop3A_152, %parallel_loop3A_154 : vector<16xf32>
        %parallel_loop3A_156 = arith.constant 8.000000e+00 : f32
        %parallel_loop3A_157 = vector.broadcast %parallel_loop3A_156 : f32 to vector<16xf32>
        %parallel_loop3A_158 = arith.minimumf %parallel_loop3A_155, %parallel_loop3A_157 : vector<16xf32>
        %parallel_loop3A_159 = arith.constant 8.000000e+00 : f32
        %parallel_loop3A_160 = vector.broadcast %parallel_loop3A_159 : f32 to vector<16xf32>
        %parallel_loop3A_161 = arith.addf %parallel_loop3A_158, %parallel_loop3A_160 : vector<16xf32>
        %parallel_loop3A_162 = arith.fptosi %parallel_loop3A_161 : vector<16xf32> to vector<16xi32>
        %parallel_loop3A_163 = tpu.vector_load_idx %arg9[%parallel_loop3A_162] : memref<24xf32, #tpu.memory_space<vmem>>[vector<16xi32>], vector<16xf32>,
        %parallel_loop3A_164 = arith.index_cast %parallel_loop3A_98 : i32 to index
        %parallel_loop3A_165 = arith.constant 48 : index
        %parallel_loop3A_166 = tpu.vector_load %arg7[%parallel_loop3A_164, %parallel_loop3A_165] {strides = array<i32>} : memref<200x128xf32, #tpu.memory_space<vmem>>, vector<16xf32>,
        tpu.vector_store %arg7[%parallel_loop3A_164, %parallel_loop3A_165], %parallel_loop3A_163 {strides = array<i32>} : memref<200x128xf32, #tpu.memory_space<vmem>>, vector<16xf32>,
        %parallel_loop3A_167 = arith.index_cast %parallel_loop3A_98 : i32 to index
        %parallel_loop3A_168 = arith.constant 64 : index
        %parallel_loop3A_169 = tpu.vector_load %arg5[%parallel_loop3A_167, %parallel_loop3A_168] {strides = array<i32>} : memref<200x128xf32, #tpu.memory_space<vmem>>, vector<16xf32>,
        %parallel_loop3A_170 = arith.constant -8.000000e+00 : f32
        %parallel_loop3A_171 = vector.broadcast %parallel_loop3A_170 : f32 to vector<16xf32>
        %parallel_loop3A_172 = arith.maximumf %parallel_loop3A_169, %parallel_loop3A_171 : vector<16xf32>
        %parallel_loop3A_173 = arith.constant 8.000000e+00 : f32
        %parallel_loop3A_174 = vector.broadcast %parallel_loop3A_173 : f32 to vector<16xf32>
        %parallel_loop3A_175 = arith.minimumf %parallel_loop3A_172, %parallel_loop3A_174 : vector<16xf32>
        %parallel_loop3A_176 = arith.constant 8.000000e+00 : f32
        %parallel_loop3A_177 = vector.broadcast %parallel_loop3A_176 : f32 to vector<16xf32>
        %parallel_loop3A_178 = arith.addf %parallel_loop3A_175, %parallel_loop3A_177 : vector<16xf32>
        %parallel_loop3A_179 = arith.fptosi %parallel_loop3A_178 : vector<16xf32> to vector<16xi32>
        %parallel_loop3A_180 = arith.constant 15 : i32
        %parallel_loop3A_181 = vector.broadcast %parallel_loop3A_180 : i32 to vector<16xi32>
        %parallel_loop3A_182 = arith.andi %parallel_loop3A_179, %parallel_loop3A_181 : vector<16xi32>
        %parallel_loop3A_183 = vector.shape_cast %parallel_loop3A_182 : vector<16xi32> to vector<16x1xi32>
        %parallel_loop3A_184 = vector.shape_cast %parallel_loop3A_183 : vector<16x1xi32> to vector<16xi32>
        %parallel_loop3A_185 = tpu.dynamic_gather %get3A_45[%parallel_loop3A_184] in [0] : vector<16xf32>, vector<16xi32> -> vector<16xf32>
        %parallel_loop3A_186 = arith.constant 16 : i32
        %parallel_loop3A_187 = vector.broadcast %parallel_loop3A_186 : i32 to vector<16xi32>
        %parallel_loop3A_188 = arith.cmpi eq, %parallel_loop3A_179, %parallel_loop3A_187 : vector<16xi32>
        %parallel_loop3A_189 = arith.select %parallel_loop3A_188, %gather3A, %parallel_loop3A_185 : vector<16xi1>, vector<16xf32>
        %parallel_loop3A_190 = arith.index_cast %parallel_loop3A_98 : i32 to index
        %parallel_loop3A_191 = arith.constant 64 : index
        %parallel_loop3A_192 = tpu.vector_load %arg7[%parallel_loop3A_190, %parallel_loop3A_191] {strides = array<i32>} : memref<200x128xf32, #tpu.memory_space<vmem>>, vector<16xf32>,
        tpu.vector_store %arg7[%parallel_loop3A_190, %parallel_loop3A_191], %parallel_loop3A_189 {strides = array<i32>} : memref<200x128xf32, #tpu.memory_space<vmem>>, vector<16xf32>,
        %parallel_loop3A_193 = arith.index_cast %parallel_loop3A_98 : i32 to index
        %parallel_loop3A_194 = arith.constant 80 : index
        %parallel_loop3A_195 = tpu.vector_load %arg5[%parallel_loop3A_193, %parallel_loop3A_194] {strides = array<i32>} : memref<200x128xf32, #tpu.memory_space<vmem>>, vector<16xf32>,
        %parallel_loop3A_196 = arith.constant -8.000000e+00 : f32
        %parallel_loop3A_197 = vector.broadcast %parallel_loop3A_196 : f32 to vector<16xf32>
        %parallel_loop3A_198 = arith.maximumf %parallel_loop3A_195, %parallel_loop3A_197 : vector<16xf32>
        %parallel_loop3A_199 = arith.constant 8.000000e+00 : f32
        %parallel_loop3A_200 = vector.broadcast %parallel_loop3A_199 : f32 to vector<16xf32>
        %parallel_loop3A_201 = arith.minimumf %parallel_loop3A_198, %parallel_loop3A_200 : vector<16xf32>
        %parallel_loop3A_202 = arith.constant 8.000000e+00 : f32
        %parallel_loop3A_203 = vector.broadcast %parallel_loop3A_202 : f32 to vector<16xf32>
        %parallel_loop3A_204 = arith.addf %parallel_loop3A_201, %parallel_loop3A_203 : vector<16xf32>
        %parallel_loop3A_205 = arith.fptosi %parallel_loop3A_204 : vector<16xf32> to vector<16xi32>
        %parallel_loop3A_206 = arith.constant 15 : i32
        %parallel_loop3A_207 = vector.broadcast %parallel_loop3A_206 : i32 to vector<16xi32>
        %parallel_loop3A_208 = arith.andi %parallel_loop3A_205, %parallel_loop3A_207 : vector<16xi32>
        %parallel_loop3A_209 = vector.shape_cast %parallel_loop3A_208 : vector<16xi32> to vector<16x1xi32>
        %parallel_loop3A_210 = vector.shape_cast %parallel_loop3A_209 : vector<16x1xi32> to vector<16xi32>
        %parallel_loop3A_211 = tpu.dynamic_gather %get3A_45[%parallel_loop3A_210] in [0] : vector<16xf32>, vector<16xi32> -> vector<16xf32>
        %parallel_loop3A_212 = arith.constant 16 : i32
        %parallel_loop3A_213 = vector.broadcast %parallel_loop3A_212 : i32 to vector<16xi32>
        %parallel_loop3A_214 = arith.cmpi eq, %parallel_loop3A_205, %parallel_loop3A_213 : vector<16xi32>
        %parallel_loop3A_215 = arith.select %parallel_loop3A_214, %gather3A, %parallel_loop3A_211 : vector<16xi1>, vector<16xf32>
        %parallel_loop3A_216 = arith.index_cast %parallel_loop3A_98 : i32 to index
        %parallel_loop3A_217 = arith.constant 80 : index
        %parallel_loop3A_218 = tpu.vector_load %arg7[%parallel_loop3A_216, %parallel_loop3A_217] {strides = array<i32>} : memref<200x128xf32, #tpu.memory_space<vmem>>, vector<16xf32>,
        tpu.vector_store %arg7[%parallel_loop3A_216, %parallel_loop3A_217], %parallel_loop3A_215 {strides = array<i32>} : memref<200x128xf32, #tpu.memory_space<vmem>>, vector<16xf32>,
        %parallel_loop3A_219 = arith.index_cast %parallel_loop3A_98 : i32 to index
        %parallel_loop3A_220 = arith.constant 96 : index
        %parallel_loop3A_221 = tpu.vector_load %arg5[%parallel_loop3A_219, %parallel_loop3A_220] {strides = array<i32>} : memref<200x128xf32, #tpu.memory_space<vmem>>, vector<16xf32>,
        %parallel_loop3A_222 = arith.constant -8.000000e+00 : f32
        %parallel_loop3A_223 = vector.broadcast %parallel_loop3A_222 : f32 to vector<16xf32>
        %parallel_loop3A_224 = arith.maximumf %parallel_loop3A_221, %parallel_loop3A_223 : vector<16xf32>
        %parallel_loop3A_225 = arith.constant 8.000000e+00 : f32
        %parallel_loop3A_226 = vector.broadcast %parallel_loop3A_225 : f32 to vector<16xf32>
        %parallel_loop3A_227 = arith.minimumf %parallel_loop3A_224, %parallel_loop3A_226 : vector<16xf32>
        %parallel_loop3A_228 = arith.constant 8.000000e+00 : f32
        %parallel_loop3A_229 = vector.broadcast %parallel_loop3A_228 : f32 to vector<16xf32>
        %parallel_loop3A_230 = arith.addf %parallel_loop3A_227, %parallel_loop3A_229 : vector<16xf32>
        %parallel_loop3A_231 = arith.fptosi %parallel_loop3A_230 : vector<16xf32> to vector<16xi32>
        %parallel_loop3A_232 = arith.constant 15 : i32
        %parallel_loop3A_233 = vector.broadcast %parallel_loop3A_232 : i32 to vector<16xi32>
        %parallel_loop3A_234 = arith.andi %parallel_loop3A_231, %parallel_loop3A_233 : vector<16xi32>
        %parallel_loop3A_235 = vector.shape_cast %parallel_loop3A_234 : vector<16xi32> to vector<16x1xi32>
        %parallel_loop3A_236 = vector.shape_cast %parallel_loop3A_235 : vector<16x1xi32> to vector<16xi32>
        %parallel_loop3A_237 = tpu.dynamic_gather %get3A_45[%parallel_loop3A_236] in [0] : vector<16xf32>, vector<16xi32> -> vector<16xf32>
        %parallel_loop3A_238 = arith.constant 16 : i32
        %parallel_loop3A_239 = vector.broadcast %parallel_loop3A_238 : i32 to vector<16xi32>
        %parallel_loop3A_240 = arith.cmpi eq, %parallel_loop3A_231, %parallel_loop3A_239 : vector<16xi32>
        %parallel_loop3A_241 = arith.select %parallel_loop3A_240, %gather3A, %parallel_loop3A_237 : vector<16xi1>, vector<16xf32>
        %parallel_loop3A_242 = arith.index_cast %parallel_loop3A_98 : i32 to index
        %parallel_loop3A_243 = arith.constant 96 : index
        %parallel_loop3A_244 = tpu.vector_load %arg7[%parallel_loop3A_242, %parallel_loop3A_243] {strides = array<i32>} : memref<200x128xf32, #tpu.memory_space<vmem>>, vector<16xf32>,
        tpu.vector_store %arg7[%parallel_loop3A_242, %parallel_loop3A_243], %parallel_loop3A_241 {strides = array<i32>} : memref<200x128xf32, #tpu.memory_space<vmem>>, vector<16xf32>,
        %parallel_loop3A_245 = arith.index_cast %parallel_loop3A_98 : i32 to index
        %parallel_loop3A_246 = arith.constant 112 : index
        %parallel_loop3A_247 = tpu.vector_load %arg5[%parallel_loop3A_245, %parallel_loop3A_246] {strides = array<i32>} : memref<200x128xf32, #tpu.memory_space<vmem>>, vector<16xf32>,
        %parallel_loop3A_248 = arith.constant -8.000000e+00 : f32
        %parallel_loop3A_249 = vector.broadcast %parallel_loop3A_248 : f32 to vector<16xf32>
        %parallel_loop3A_250 = arith.maximumf %parallel_loop3A_247, %parallel_loop3A_249 : vector<16xf32>
        %parallel_loop3A_251 = arith.constant 8.000000e+00 : f32
        %parallel_loop3A_252 = vector.broadcast %parallel_loop3A_251 : f32 to vector<16xf32>
        %parallel_loop3A_253 = arith.minimumf %parallel_loop3A_250, %parallel_loop3A_252 : vector<16xf32>
        %parallel_loop3A_254 = arith.constant 8.000000e+00 : f32
        %parallel_loop3A_255 = vector.broadcast %parallel_loop3A_254 : f32 to vector<16xf32>
        %parallel_loop3A_256 = arith.addf %parallel_loop3A_253, %parallel_loop3A_255 : vector<16xf32>
        %parallel_loop3A_257 = arith.fptosi %parallel_loop3A_256 : vector<16xf32> to vector<16xi32>
        %parallel_loop3A_258 = arith.constant 15 : i32
        %parallel_loop3A_259 = vector.broadcast %parallel_loop3A_258 : i32 to vector<16xi32>
        %parallel_loop3A_260 = arith.andi %parallel_loop3A_257, %parallel_loop3A_259 : vector<16xi32>
        %parallel_loop3A_261 = vector.shape_cast %parallel_loop3A_260 : vector<16xi32> to vector<16x1xi32>
        %parallel_loop3A_262 = vector.shape_cast %parallel_loop3A_261 : vector<16x1xi32> to vector<16xi32>
        %parallel_loop3A_263 = tpu.dynamic_gather %get3A_45[%parallel_loop3A_262] in [0] : vector<16xf32>, vector<16xi32> -> vector<16xf32>
        %parallel_loop3A_264 = arith.constant 16 : i32
        %parallel_loop3A_265 = vector.broadcast %parallel_loop3A_264 : i32 to vector<16xi32>
        %parallel_loop3A_266 = arith.cmpi eq, %parallel_loop3A_257, %parallel_loop3A_265 : vector<16xi32>
        %parallel_loop3A_267 = arith.select %parallel_loop3A_266, %gather3A, %parallel_loop3A_263 : vector<16xi1>, vector<16xf32>
        %parallel_loop3A_268 = arith.index_cast %parallel_loop3A_98 : i32 to index
        %parallel_loop3A_269 = arith.constant 112 : index
        %parallel_loop3A_270 = tpu.vector_load %arg7[%parallel_loop3A_268, %parallel_loop3A_269] {strides = array<i32>} : memref<200x128xf32, #tpu.memory_space<vmem>>, vector<16xf32>,
        tpu.vector_store %arg7[%parallel_loop3A_268, %parallel_loop3A_269], %parallel_loop3A_267 {strides = array<i32>} : memref<200x128xf32, #tpu.memory_space<vmem>>, vector<16xf32>,
      } {sc.loop_unroll_factor = 1 : i64, sc.parallel_access}
      %mul3A_49 = arith.constant 128 : i32
      %mul3A_50 = arith.muli %add3A_35, %mul3A_49 : i32
      %add3A_51 = arith.addi %mul3A_2, %mul3A_50 : i32
      %dma_start3A_52 = arith.constant 0 : i32
      %dma_start3A_53 = tpu.memref_slice %arg4[%dma_start3A_52, %add3A_51] : memref<200x16384xf32, #tpu.memory_space<hbm>> -> memref<200x128xf32, #tpu.memory_space<hbm>>
      %dma_start3A_54 = arith.constant 0 : i32
      %dma_start3A_55 = tpu.memref_slice %arg4[%dma_start3A_54, %add3A_51] : memref<200x16384xf32, #tpu.memory_space<hbm>> -> memref<200x128xf32, #tpu.memory_space<hbm>>
      tpu.enqueue_dma source(%arg7 : memref<200x128xf32, #tpu.memory_space<vmem>>) target(%dma_start3A_55 : memref<200x128xf32, #tpu.memory_space<hbm>>) target_semaphore(%arg12 : memref<!tpu.dma_semaphore, #tpu.memory_space<semaphore_mem>>)
      %add3A_56 = arith.constant 2 : i32
      %add3A_57 = arith.addi %add3A_35, %add3A_56 : i32
      %lt3A = arith.constant 4 : i32
      %lt3A_58 = arith.cmpi slt, %add3A_57, %lt3A : i32
      %convert_element_type3A_59 = arith.extui %lt3A_58 : i1 to i32
      %cond3A_60 = arith.constant 0 : i32
      %cond3A_61 = arith.cmpi ne, %convert_element_type3A_59, %cond3A_60 : i32
      scf.if %cond3A_61 {
        %add3A_98 = arith.constant 2 : i32
        %add3A_99 = arith.addi %add3A_35, %add3A_98 : i32
        %mul3A_100 = arith.constant 128 : i32
        %mul3A_101 = arith.muli %add3A_99, %mul3A_100 : i32
        %add3A_102 = arith.addi %mul3A_2, %mul3A_101 : i32
        %dma_start3A_103 = arith.constant 0 : i32
        %dma_start3A_104 = tpu.memref_slice %arg2[%dma_start3A_103, %add3A_102] : memref<200x16384xf32, #tpu.memory_space<hbm>> -> memref<200x128xf32, #tpu.memory_space<hbm>>
        %dma_start3A_105 = arith.constant 0 : i32
        %dma_start3A_106 = tpu.memref_slice %arg2[%dma_start3A_105, %add3A_102] : memref<200x16384xf32, #tpu.memory_space<hbm>> -> memref<200x128xf32, #tpu.memory_space<hbm>>
        tpu.enqueue_dma source(%dma_start3A_106 : memref<200x128xf32, #tpu.memory_space<hbm>>) target(%arg5 : memref<200x128xf32, #tpu.memory_space<vmem>>) target_semaphore(%arg10 : memref<!tpu.dma_semaphore, #tpu.memory_space<semaphore_mem>>)
      } else {
      }
      %add3A_62 = arith.constant 1 : i32
      %add3A_63 = arith.addi %add3A_33, %add3A_62 : i32
      %mul3A_64 = arith.constant 128 : i32
      %mul3A_65 = arith.muli %add3A_63, %mul3A_64 : i32
      %add3A_66 = arith.addi %mul3A_2, %mul3A_65 : i32
      %dma_wait3A_67 = arith.constant 0 : i32
      %dma_wait3A_68 = tpu.memref_slice %arg2[%dma_wait3A_67, %add3A_66] : memref<200x16384xf32, #tpu.memory_space<hbm>> -> memref<200x128xf32, #tpu.memory_space<hbm>>
      %dma_wait3A_69 = arith.constant 0 : i32
      %dma_wait3A_70 = tpu.memref_slice %arg2[%dma_wait3A_69, %add3A_66] : memref<200x16384xf32, #tpu.memory_space<hbm>> -> memref<200x128xf32, #tpu.memory_space<hbm>>
      tpu.wait_dma2 semaphore(%arg11 : memref<!tpu.dma_semaphore, #tpu.memory_space<semaphore_mem>>) src(%dma_wait3A_70 : memref<200x128xf32, #tpu.memory_space<hbm>>) dst(%arg6 : memref<200x128xf32, #tpu.memory_space<vmem>>)
      %ge3A_71 = arith.constant 2 : i32
      %ge3A_72 = arith.cmpi sge, %add3A_63, %ge3A_71 : i32
      %convert_element_type3A_73 = arith.extui %ge3A_72 : i1 to i32
      %cond3A_74 = arith.constant 0 : i32
      %cond3A_75 = arith.cmpi ne, %convert_element_type3A_73, %cond3A_74 : i32
      scf.if %cond3A_75 {
        %sub3A = arith.constant 2 : i32
        %sub3A_98 = arith.subi %add3A_63, %sub3A : i32
        %mul3A_99 = arith.constant 128 : i32
        %mul3A_100 = arith.muli %sub3A_98, %mul3A_99 : i32
        %add3A_101 = arith.addi %mul3A_2, %mul3A_100 : i32
        %dma_wait3A_102 = arith.constant 0 : i32
        %dma_wait3A_103 = tpu.memref_slice %arg4[%dma_wait3A_102, %add3A_101] : memref<200x16384xf32, #tpu.memory_space<hbm>> -> memref<200x128xf32, #tpu.memory_space<hbm>>
        %dma_wait3A_104 = arith.constant 0 : i32
        %dma_wait3A_105 = tpu.memref_slice %arg4[%dma_wait3A_104, %add3A_101] : memref<200x16384xf32, #tpu.memory_space<hbm>> -> memref<200x128xf32, #tpu.memory_space<hbm>>
        tpu.wait_dma2 semaphore(%arg13 : memref<!tpu.dma_semaphore, #tpu.memory_space<semaphore_mem>>) src(%arg8 : memref<200x128xf32, #tpu.memory_space<vmem>>) dst(%dma_wait3A_105 : memref<200x128xf32, #tpu.memory_space<hbm>>)
      } else {
      }
      %get3A_76 = arith.constant 0 : index
      %get3A_77 = tpu.vector_load %arg9[%get3A_76] {strides = array<i32>} : memref<24xf32, #tpu.memory_space<vmem>>, vector<16xf32>,
      %broadcast_in_dim3A_78 = arith.constant 16 : i32
      %broadcast_in_dim3A_79 = vector.broadcast %broadcast_in_dim3A_78 : i32 to vector<16xi32>
      %gather3A_80 = tpu.vector_load_idx %arg9[%broadcast_in_dim3A_79] : memref<24xf32, #tpu.memory_space<vmem>>[vector<16xi32>], vector<16xf32>,
      %parallel_loop3A_81 = arith.constant 0 : i32
      %parallel_loop3A_82 = arith.constant 200 : i32
      %parallel_loop3A_83 = arith.constant 1 : i32
      scf.for %parallel_loop3A_98 = %parallel_loop3A_81 to %parallel_loop3A_82 step %parallel_loop3A_83  : i32 {
        %parallel_loop3A_99 = arith.index_cast %parallel_loop3A_98 : i32 to index
        %parallel_loop3A_100 = arith.constant 0 : index
        %parallel_loop3A_101 = tpu.vector_load %arg6[%parallel_loop3A_99, %parallel_loop3A_100] {strides = array<i32>} : memref<200x128xf32, #tpu.memory_space<vmem>>, vector<16xf32>,
        %parallel_loop3A_102 = arith.constant -8.000000e+00 : f32
        %parallel_loop3A_103 = vector.broadcast %parallel_loop3A_102 : f32 to vector<16xf32>
        %parallel_loop3A_104 = arith.maximumf %parallel_loop3A_101, %parallel_loop3A_103 : vector<16xf32>
        %parallel_loop3A_105 = arith.constant 8.000000e+00 : f32
        %parallel_loop3A_106 = vector.broadcast %parallel_loop3A_105 : f32 to vector<16xf32>
        %parallel_loop3A_107 = arith.minimumf %parallel_loop3A_104, %parallel_loop3A_106 : vector<16xf32>
        %parallel_loop3A_108 = arith.constant 8.000000e+00 : f32
        %parallel_loop3A_109 = vector.broadcast %parallel_loop3A_108 : f32 to vector<16xf32>
        %parallel_loop3A_110 = arith.addf %parallel_loop3A_107, %parallel_loop3A_109 : vector<16xf32>
        %parallel_loop3A_111 = arith.fptosi %parallel_loop3A_110 : vector<16xf32> to vector<16xi32>
        %parallel_loop3A_112 = tpu.vector_load_idx %arg9[%parallel_loop3A_111] : memref<24xf32, #tpu.memory_space<vmem>>[vector<16xi32>], vector<16xf32>,
        %parallel_loop3A_113 = arith.index_cast %parallel_loop3A_98 : i32 to index
        %parallel_loop3A_114 = arith.constant 0 : index
        %parallel_loop3A_115 = tpu.vector_load %arg8[%parallel_loop3A_113, %parallel_loop3A_114] {strides = array<i32>} : memref<200x128xf32, #tpu.memory_space<vmem>>, vector<16xf32>,
        tpu.vector_store %arg8[%parallel_loop3A_113, %parallel_loop3A_114], %parallel_loop3A_112 {strides = array<i32>} : memref<200x128xf32, #tpu.memory_space<vmem>>, vector<16xf32>,
        %parallel_loop3A_116 = arith.index_cast %parallel_loop3A_98 : i32 to index
        %parallel_loop3A_117 = arith.constant 16 : index
        %parallel_loop3A_118 = tpu.vector_load %arg6[%parallel_loop3A_116, %parallel_loop3A_117] {strides = array<i32>} : memref<200x128xf32, #tpu.memory_space<vmem>>, vector<16xf32>,
        %parallel_loop3A_119 = arith.constant -8.000000e+00 : f32
        %parallel_loop3A_120 = vector.broadcast %parallel_loop3A_119 : f32 to vector<16xf32>
        %parallel_loop3A_121 = arith.maximumf %parallel_loop3A_118, %parallel_loop3A_120 : vector<16xf32>
        %parallel_loop3A_122 = arith.constant 8.000000e+00 : f32
        %parallel_loop3A_123 = vector.broadcast %parallel_loop3A_122 : f32 to vector<16xf32>
        %parallel_loop3A_124 = arith.minimumf %parallel_loop3A_121, %parallel_loop3A_123 : vector<16xf32>
        %parallel_loop3A_125 = arith.constant 8.000000e+00 : f32
        %parallel_loop3A_126 = vector.broadcast %parallel_loop3A_125 : f32 to vector<16xf32>
        %parallel_loop3A_127 = arith.addf %parallel_loop3A_124, %parallel_loop3A_126 : vector<16xf32>
        %parallel_loop3A_128 = arith.fptosi %parallel_loop3A_127 : vector<16xf32> to vector<16xi32>
        %parallel_loop3A_129 = tpu.vector_load_idx %arg9[%parallel_loop3A_128] : memref<24xf32, #tpu.memory_space<vmem>>[vector<16xi32>], vector<16xf32>,
        %parallel_loop3A_130 = arith.index_cast %parallel_loop3A_98 : i32 to index
        %parallel_loop3A_131 = arith.constant 16 : index
        %parallel_loop3A_132 = tpu.vector_load %arg8[%parallel_loop3A_130, %parallel_loop3A_131] {strides = array<i32>} : memref<200x128xf32, #tpu.memory_space<vmem>>, vector<16xf32>,
        tpu.vector_store %arg8[%parallel_loop3A_130, %parallel_loop3A_131], %parallel_loop3A_129 {strides = array<i32>} : memref<200x128xf32, #tpu.memory_space<vmem>>, vector<16xf32>,
        %parallel_loop3A_133 = arith.index_cast %parallel_loop3A_98 : i32 to index
        %parallel_loop3A_134 = arith.constant 32 : index
        %parallel_loop3A_135 = tpu.vector_load %arg6[%parallel_loop3A_133, %parallel_loop3A_134] {strides = array<i32>} : memref<200x128xf32, #tpu.memory_space<vmem>>, vector<16xf32>,
        %parallel_loop3A_136 = arith.constant -8.000000e+00 : f32
        %parallel_loop3A_137 = vector.broadcast %parallel_loop3A_136 : f32 to vector<16xf32>
        %parallel_loop3A_138 = arith.maximumf %parallel_loop3A_135, %parallel_loop3A_137 : vector<16xf32>
        %parallel_loop3A_139 = arith.constant 8.000000e+00 : f32
        %parallel_loop3A_140 = vector.broadcast %parallel_loop3A_139 : f32 to vector<16xf32>
        %parallel_loop3A_141 = arith.minimumf %parallel_loop3A_138, %parallel_loop3A_140 : vector<16xf32>
        %parallel_loop3A_142 = arith.constant 8.000000e+00 : f32
        %parallel_loop3A_143 = vector.broadcast %parallel_loop3A_142 : f32 to vector<16xf32>
        %parallel_loop3A_144 = arith.addf %parallel_loop3A_141, %parallel_loop3A_143 : vector<16xf32>
        %parallel_loop3A_145 = arith.fptosi %parallel_loop3A_144 : vector<16xf32> to vector<16xi32>
        %parallel_loop3A_146 = tpu.vector_load_idx %arg9[%parallel_loop3A_145] : memref<24xf32, #tpu.memory_space<vmem>>[vector<16xi32>], vector<16xf32>,
        %parallel_loop3A_147 = arith.index_cast %parallel_loop3A_98 : i32 to index
        %parallel_loop3A_148 = arith.constant 32 : index
        %parallel_loop3A_149 = tpu.vector_load %arg8[%parallel_loop3A_147, %parallel_loop3A_148] {strides = array<i32>} : memref<200x128xf32, #tpu.memory_space<vmem>>, vector<16xf32>,
        tpu.vector_store %arg8[%parallel_loop3A_147, %parallel_loop3A_148], %parallel_loop3A_146 {strides = array<i32>} : memref<200x128xf32, #tpu.memory_space<vmem>>, vector<16xf32>,
        %parallel_loop3A_150 = arith.index_cast %parallel_loop3A_98 : i32 to index
        %parallel_loop3A_151 = arith.constant 48 : index
        %parallel_loop3A_152 = tpu.vector_load %arg6[%parallel_loop3A_150, %parallel_loop3A_151] {strides = array<i32>} : memref<200x128xf32, #tpu.memory_space<vmem>>, vector<16xf32>,
        %parallel_loop3A_153 = arith.constant -8.000000e+00 : f32
        %parallel_loop3A_154 = vector.broadcast %parallel_loop3A_153 : f32 to vector<16xf32>
        %parallel_loop3A_155 = arith.maximumf %parallel_loop3A_152, %parallel_loop3A_154 : vector<16xf32>
        %parallel_loop3A_156 = arith.constant 8.000000e+00 : f32
        %parallel_loop3A_157 = vector.broadcast %parallel_loop3A_156 : f32 to vector<16xf32>
        %parallel_loop3A_158 = arith.minimumf %parallel_loop3A_155, %parallel_loop3A_157 : vector<16xf32>
        %parallel_loop3A_159 = arith.constant 8.000000e+00 : f32
        %parallel_loop3A_160 = vector.broadcast %parallel_loop3A_159 : f32 to vector<16xf32>
        %parallel_loop3A_161 = arith.addf %parallel_loop3A_158, %parallel_loop3A_160 : vector<16xf32>
        %parallel_loop3A_162 = arith.fptosi %parallel_loop3A_161 : vector<16xf32> to vector<16xi32>
        %parallel_loop3A_163 = tpu.vector_load_idx %arg9[%parallel_loop3A_162] : memref<24xf32, #tpu.memory_space<vmem>>[vector<16xi32>], vector<16xf32>,
        %parallel_loop3A_164 = arith.index_cast %parallel_loop3A_98 : i32 to index
        %parallel_loop3A_165 = arith.constant 48 : index
        %parallel_loop3A_166 = tpu.vector_load %arg8[%parallel_loop3A_164, %parallel_loop3A_165] {strides = array<i32>} : memref<200x128xf32, #tpu.memory_space<vmem>>, vector<16xf32>,
        tpu.vector_store %arg8[%parallel_loop3A_164, %parallel_loop3A_165], %parallel_loop3A_163 {strides = array<i32>} : memref<200x128xf32, #tpu.memory_space<vmem>>, vector<16xf32>,
        %parallel_loop3A_167 = arith.index_cast %parallel_loop3A_98 : i32 to index
        %parallel_loop3A_168 = arith.constant 64 : index
        %parallel_loop3A_169 = tpu.vector_load %arg6[%parallel_loop3A_167, %parallel_loop3A_168] {strides = array<i32>} : memref<200x128xf32, #tpu.memory_space<vmem>>, vector<16xf32>,
        %parallel_loop3A_170 = arith.constant -8.000000e+00 : f32
        %parallel_loop3A_171 = vector.broadcast %parallel_loop3A_170 : f32 to vector<16xf32>
        %parallel_loop3A_172 = arith.maximumf %parallel_loop3A_169, %parallel_loop3A_171 : vector<16xf32>
        %parallel_loop3A_173 = arith.constant 8.000000e+00 : f32
        %parallel_loop3A_174 = vector.broadcast %parallel_loop3A_173 : f32 to vector<16xf32>
        %parallel_loop3A_175 = arith.minimumf %parallel_loop3A_172, %parallel_loop3A_174 : vector<16xf32>
        %parallel_loop3A_176 = arith.constant 8.000000e+00 : f32
        %parallel_loop3A_177 = vector.broadcast %parallel_loop3A_176 : f32 to vector<16xf32>
        %parallel_loop3A_178 = arith.addf %parallel_loop3A_175, %parallel_loop3A_177 : vector<16xf32>
        %parallel_loop3A_179 = arith.fptosi %parallel_loop3A_178 : vector<16xf32> to vector<16xi32>
        %parallel_loop3A_180 = arith.constant 15 : i32
        %parallel_loop3A_181 = vector.broadcast %parallel_loop3A_180 : i32 to vector<16xi32>
        %parallel_loop3A_182 = arith.andi %parallel_loop3A_179, %parallel_loop3A_181 : vector<16xi32>
        %parallel_loop3A_183 = vector.shape_cast %parallel_loop3A_182 : vector<16xi32> to vector<16x1xi32>
        %parallel_loop3A_184 = vector.shape_cast %parallel_loop3A_183 : vector<16x1xi32> to vector<16xi32>
        %parallel_loop3A_185 = tpu.dynamic_gather %get3A_77[%parallel_loop3A_184] in [0] : vector<16xf32>, vector<16xi32> -> vector<16xf32>
        %parallel_loop3A_186 = arith.constant 16 : i32
        %parallel_loop3A_187 = vector.broadcast %parallel_loop3A_186 : i32 to vector<16xi32>
        %parallel_loop3A_188 = arith.cmpi eq, %parallel_loop3A_179, %parallel_loop3A_187 : vector<16xi32>
        %parallel_loop3A_189 = arith.select %parallel_loop3A_188, %gather3A_80, %parallel_loop3A_185 : vector<16xi1>, vector<16xf32>
        %parallel_loop3A_190 = arith.index_cast %parallel_loop3A_98 : i32 to index
        %parallel_loop3A_191 = arith.constant 64 : index
        %parallel_loop3A_192 = tpu.vector_load %arg8[%parallel_loop3A_190, %parallel_loop3A_191] {strides = array<i32>} : memref<200x128xf32, #tpu.memory_space<vmem>>, vector<16xf32>,
        tpu.vector_store %arg8[%parallel_loop3A_190, %parallel_loop3A_191], %parallel_loop3A_189 {strides = array<i32>} : memref<200x128xf32, #tpu.memory_space<vmem>>, vector<16xf32>,
        %parallel_loop3A_193 = arith.index_cast %parallel_loop3A_98 : i32 to index
        %parallel_loop3A_194 = arith.constant 80 : index
        %parallel_loop3A_195 = tpu.vector_load %arg6[%parallel_loop3A_193, %parallel_loop3A_194] {strides = array<i32>} : memref<200x128xf32, #tpu.memory_space<vmem>>, vector<16xf32>,
        %parallel_loop3A_196 = arith.constant -8.000000e+00 : f32
        %parallel_loop3A_197 = vector.broadcast %parallel_loop3A_196 : f32 to vector<16xf32>
        %parallel_loop3A_198 = arith.maximumf %parallel_loop3A_195, %parallel_loop3A_197 : vector<16xf32>
        %parallel_loop3A_199 = arith.constant 8.000000e+00 : f32
        %parallel_loop3A_200 = vector.broadcast %parallel_loop3A_199 : f32 to vector<16xf32>
        %parallel_loop3A_201 = arith.minimumf %parallel_loop3A_198, %parallel_loop3A_200 : vector<16xf32>
        %parallel_loop3A_202 = arith.constant 8.000000e+00 : f32
        %parallel_loop3A_203 = vector.broadcast %parallel_loop3A_202 : f32 to vector<16xf32>
        %parallel_loop3A_204 = arith.addf %parallel_loop3A_201, %parallel_loop3A_203 : vector<16xf32>
        %parallel_loop3A_205 = arith.fptosi %parallel_loop3A_204 : vector<16xf32> to vector<16xi32>
        %parallel_loop3A_206 = arith.constant 15 : i32
        %parallel_loop3A_207 = vector.broadcast %parallel_loop3A_206 : i32 to vector<16xi32>
        %parallel_loop3A_208 = arith.andi %parallel_loop3A_205, %parallel_loop3A_207 : vector<16xi32>
        %parallel_loop3A_209 = vector.shape_cast %parallel_loop3A_208 : vector<16xi32> to vector<16x1xi32>
        %parallel_loop3A_210 = vector.shape_cast %parallel_loop3A_209 : vector<16x1xi32> to vector<16xi32>
        %parallel_loop3A_211 = tpu.dynamic_gather %get3A_77[%parallel_loop3A_210] in [0] : vector<16xf32>, vector<16xi32> -> vector<16xf32>
        %parallel_loop3A_212 = arith.constant 16 : i32
        %parallel_loop3A_213 = vector.broadcast %parallel_loop3A_212 : i32 to vector<16xi32>
        %parallel_loop3A_214 = arith.cmpi eq, %parallel_loop3A_205, %parallel_loop3A_213 : vector<16xi32>
        %parallel_loop3A_215 = arith.select %parallel_loop3A_214, %gather3A_80, %parallel_loop3A_211 : vector<16xi1>, vector<16xf32>
        %parallel_loop3A_216 = arith.index_cast %parallel_loop3A_98 : i32 to index
        %parallel_loop3A_217 = arith.constant 80 : index
        %parallel_loop3A_218 = tpu.vector_load %arg8[%parallel_loop3A_216, %parallel_loop3A_217] {strides = array<i32>} : memref<200x128xf32, #tpu.memory_space<vmem>>, vector<16xf32>,
        tpu.vector_store %arg8[%parallel_loop3A_216, %parallel_loop3A_217], %parallel_loop3A_215 {strides = array<i32>} : memref<200x128xf32, #tpu.memory_space<vmem>>, vector<16xf32>,
        %parallel_loop3A_219 = arith.index_cast %parallel_loop3A_98 : i32 to index
        %parallel_loop3A_220 = arith.constant 96 : index
        %parallel_loop3A_221 = tpu.vector_load %arg6[%parallel_loop3A_219, %parallel_loop3A_220] {strides = array<i32>} : memref<200x128xf32, #tpu.memory_space<vmem>>, vector<16xf32>,
        %parallel_loop3A_222 = arith.constant -8.000000e+00 : f32
        %parallel_loop3A_223 = vector.broadcast %parallel_loop3A_222 : f32 to vector<16xf32>
        %parallel_loop3A_224 = arith.maximumf %parallel_loop3A_221, %parallel_loop3A_223 : vector<16xf32>
        %parallel_loop3A_225 = arith.constant 8.000000e+00 : f32
        %parallel_loop3A_226 = vector.broadcast %parallel_loop3A_225 : f32 to vector<16xf32>
        %parallel_loop3A_227 = arith.minimumf %parallel_loop3A_224, %parallel_loop3A_226 : vector<16xf32>
        %parallel_loop3A_228 = arith.constant 8.000000e+00 : f32
        %parallel_loop3A_229 = vector.broadcast %parallel_loop3A_228 : f32 to vector<16xf32>
        %parallel_loop3A_230 = arith.addf %parallel_loop3A_227, %parallel_loop3A_229 : vector<16xf32>
        %parallel_loop3A_231 = arith.fptosi %parallel_loop3A_230 : vector<16xf32> to vector<16xi32>
        %parallel_loop3A_232 = arith.constant 15 : i32
        %parallel_loop3A_233 = vector.broadcast %parallel_loop3A_232 : i32 to vector<16xi32>
        %parallel_loop3A_234 = arith.andi %parallel_loop3A_231, %parallel_loop3A_233 : vector<16xi32>
        %parallel_loop3A_235 = vector.shape_cast %parallel_loop3A_234 : vector<16xi32> to vector<16x1xi32>
        %parallel_loop3A_236 = vector.shape_cast %parallel_loop3A_235 : vector<16x1xi32> to vector<16xi32>
        %parallel_loop3A_237 = tpu.dynamic_gather %get3A_77[%parallel_loop3A_236] in [0] : vector<16xf32>, vector<16xi32> -> vector<16xf32>
        %parallel_loop3A_238 = arith.constant 16 : i32
        %parallel_loop3A_239 = vector.broadcast %parallel_loop3A_238 : i32 to vector<16xi32>
        %parallel_loop3A_240 = arith.cmpi eq, %parallel_loop3A_231, %parallel_loop3A_239 : vector<16xi32>
        %parallel_loop3A_241 = arith.select %parallel_loop3A_240, %gather3A_80, %parallel_loop3A_237 : vector<16xi1>, vector<16xf32>
        %parallel_loop3A_242 = arith.index_cast %parallel_loop3A_98 : i32 to index
        %parallel_loop3A_243 = arith.constant 96 : index
        %parallel_loop3A_244 = tpu.vector_load %arg8[%parallel_loop3A_242, %parallel_loop3A_243] {strides = array<i32>} : memref<200x128xf32, #tpu.memory_space<vmem>>, vector<16xf32>,
        tpu.vector_store %arg8[%parallel_loop3A_242, %parallel_loop3A_243], %parallel_loop3A_241 {strides = array<i32>} : memref<200x128xf32, #tpu.memory_space<vmem>>, vector<16xf32>,
        %parallel_loop3A_245 = arith.index_cast %parallel_loop3A_98 : i32 to index
        %parallel_loop3A_246 = arith.constant 112 : index
        %parallel_loop3A_247 = tpu.vector_load %arg6[%parallel_loop3A_245, %parallel_loop3A_246] {strides = array<i32>} : memref<200x128xf32, #tpu.memory_space<vmem>>, vector<16xf32>,
        %parallel_loop3A_248 = arith.constant -8.000000e+00 : f32
        %parallel_loop3A_249 = vector.broadcast %parallel_loop3A_248 : f32 to vector<16xf32>
        %parallel_loop3A_250 = arith.maximumf %parallel_loop3A_247, %parallel_loop3A_249 : vector<16xf32>
        %parallel_loop3A_251 = arith.constant 8.000000e+00 : f32
        %parallel_loop3A_252 = vector.broadcast %parallel_loop3A_251 : f32 to vector<16xf32>
        %parallel_loop3A_253 = arith.minimumf %parallel_loop3A_250, %parallel_loop3A_252 : vector<16xf32>
        %parallel_loop3A_254 = arith.constant 8.000000e+00 : f32
        %parallel_loop3A_255 = vector.broadcast %parallel_loop3A_254 : f32 to vector<16xf32>
        %parallel_loop3A_256 = arith.addf %parallel_loop3A_253, %parallel_loop3A_255 : vector<16xf32>
        %parallel_loop3A_257 = arith.fptosi %parallel_loop3A_256 : vector<16xf32> to vector<16xi32>
        %parallel_loop3A_258 = arith.constant 15 : i32
        %parallel_loop3A_259 = vector.broadcast %parallel_loop3A_258 : i32 to vector<16xi32>
        %parallel_loop3A_260 = arith.andi %parallel_loop3A_257, %parallel_loop3A_259 : vector<16xi32>
        %parallel_loop3A_261 = vector.shape_cast %parallel_loop3A_260 : vector<16xi32> to vector<16x1xi32>
        %parallel_loop3A_262 = vector.shape_cast %parallel_loop3A_261 : vector<16x1xi32> to vector<16xi32>
        %parallel_loop3A_263 = tpu.dynamic_gather %get3A_77[%parallel_loop3A_262] in [0] : vector<16xf32>, vector<16xi32> -> vector<16xf32>
        %parallel_loop3A_264 = arith.constant 16 : i32
        %parallel_loop3A_265 = vector.broadcast %parallel_loop3A_264 : i32 to vector<16xi32>
        %parallel_loop3A_266 = arith.cmpi eq, %parallel_loop3A_257, %parallel_loop3A_265 : vector<16xi32>
        %parallel_loop3A_267 = arith.select %parallel_loop3A_266, %gather3A_80, %parallel_loop3A_263 : vector<16xi1>, vector<16xf32>
        %parallel_loop3A_268 = arith.index_cast %parallel_loop3A_98 : i32 to index
        %parallel_loop3A_269 = arith.constant 112 : index
        %parallel_loop3A_270 = tpu.vector_load %arg8[%parallel_loop3A_268, %parallel_loop3A_269] {strides = array<i32>} : memref<200x128xf32, #tpu.memory_space<vmem>>, vector<16xf32>,
        tpu.vector_store %arg8[%parallel_loop3A_268, %parallel_loop3A_269], %parallel_loop3A_267 {strides = array<i32>} : memref<200x128xf32, #tpu.memory_space<vmem>>, vector<16xf32>,
      } {sc.loop_unroll_factor = 1 : i64, sc.parallel_access}
      %mul3A_84 = arith.constant 128 : i32
      %mul3A_85 = arith.muli %add3A_63, %mul3A_84 : i32
      %add3A_86 = arith.addi %mul3A_2, %mul3A_85 : i32
      %dma_start3A_87 = arith.constant 0 : i32
      %dma_start3A_88 = tpu.memref_slice %arg4[%dma_start3A_87, %add3A_86] : memref<200x16384xf32, #tpu.memory_space<hbm>> -> memref<200x128xf32, #tpu.memory_space<hbm>>
      %dma_start3A_89 = arith.constant 0 : i32
      %dma_start3A_90 = tpu.memref_slice %arg4[%dma_start3A_89, %add3A_86] : memref<200x16384xf32, #tpu.memory_space<hbm>> -> memref<200x128xf32, #tpu.memory_space<hbm>>
      tpu.enqueue_dma source(%arg8 : memref<200x128xf32, #tpu.memory_space<vmem>>) target(%dma_start3A_90 : memref<200x128xf32, #tpu.memory_space<hbm>>) target_semaphore(%arg13 : memref<!tpu.dma_semaphore, #tpu.memory_space<semaphore_mem>>)
      %add3A_91 = arith.constant 2 : i32
      %add3A_92 = arith.addi %add3A_63, %add3A_91 : i32
      %lt3A_93 = arith.constant 4 : i32
      %lt3A_94 = arith.cmpi slt, %add3A_92, %lt3A_93 : i32
      %convert_element_type3A_95 = arith.extui %lt3A_94 : i1 to i32
      %cond3A_96 = arith.constant 0 : i32
      %cond3A_97 = arith.cmpi ne, %convert_element_type3A_95, %cond3A_96 : i32
      scf.if %cond3A_97 {
        %add3A_98 = arith.constant 2 : i32
        %add3A_99 = arith.addi %add3A_63, %add3A_98 : i32
        %mul3A_100 = arith.constant 128 : i32
        %mul3A_101 = arith.muli %add3A_99, %mul3A_100 : i32
        %add3A_102 = arith.addi %mul3A_2, %mul3A_101 : i32
        %dma_start3A_103 = arith.constant 0 : i32
        %dma_start3A_104 = tpu.memref_slice %arg2[%dma_start3A_103, %add3A_102] : memref<200x16384xf32, #tpu.memory_space<hbm>> -> memref<200x128xf32, #tpu.memory_space<hbm>>
        %dma_start3A_105 = arith.constant 0 : i32
        %dma_start3A_106 = tpu.memref_slice %arg2[%dma_start3A_105, %add3A_102] : memref<200x16384xf32, #tpu.memory_space<hbm>> -> memref<200x128xf32, #tpu.memory_space<hbm>>
        tpu.enqueue_dma source(%dma_start3A_106 : memref<200x128xf32, #tpu.memory_space<hbm>>) target(%arg6 : memref<200x128xf32, #tpu.memory_space<vmem>>) target_semaphore(%arg11 : memref<!tpu.dma_semaphore, #tpu.memory_space<semaphore_mem>>)
      } else {
      }
    }
    %scan3A_17 = arith.constant 2 : i32
    %add3A_18 = arith.constant 256 : i32
    %add3A_19 = arith.addi %mul3A_2, %add3A_18 : i32
    %dma_wait3A = arith.constant 0 : i32
    %dma_wait3A_20 = tpu.memref_slice %arg4[%dma_wait3A, %add3A_19] : memref<200x16384xf32, #tpu.memory_space<hbm>> -> memref<200x128xf32, #tpu.memory_space<hbm>>
    %dma_wait3A_21 = arith.constant 0 : i32
    %dma_wait3A_22 = tpu.memref_slice %arg4[%dma_wait3A_21, %add3A_19] : memref<200x16384xf32, #tpu.memory_space<hbm>> -> memref<200x128xf32, #tpu.memory_space<hbm>>
    tpu.wait_dma2 semaphore(%arg12 : memref<!tpu.dma_semaphore, #tpu.memory_space<semaphore_mem>>) src(%arg7 : memref<200x128xf32, #tpu.memory_space<vmem>>) dst(%dma_wait3A_22 : memref<200x128xf32, #tpu.memory_space<hbm>>)
    %add3A_23 = arith.constant 384 : i32
    %add3A_24 = arith.addi %mul3A_2, %add3A_23 : i32
    %dma_wait3A_25 = arith.constant 0 : i32
    %dma_wait3A_26 = tpu.memref_slice %arg4[%dma_wait3A_25, %add3A_24] : memref<200x16384xf32, #tpu.memory_space<hbm>> -> memref<200x128xf32, #tpu.memory_space<hbm>>
    %dma_wait3A_27 = arith.constant 0 : i32
    %dma_wait3A_28 = tpu.memref_slice %arg4[%dma_wait3A_27, %add3A_24] : memref<200x16384xf32, #tpu.memory_space<hbm>> -> memref<200x128xf32, #tpu.memory_space<hbm>>
    tpu.wait_dma2 semaphore(%arg13 : memref<!tpu.dma_semaphore, #tpu.memory_space<semaphore_mem>>) src(%arg8 : memref<200x128xf32, #tpu.memory_space<vmem>>) dst(%dma_wait3A_28 : memref<200x128xf32, #tpu.memory_space<hbm>>)
    return
  }
}

</mosaic_0001>

<sc_bundles>
// kernel: kernel.3.cloned.1.call-start
scs
__scs_entry_jumppad:
0x0: {  	(pc) =	sbr.rel $0x88, $3  }
0x1: {  	(tag) =	ssettag $0x0;
	lr =	simm.s32 $0x1  }
0x2: {  	[smem:$0x3F9F] =	sst lr;
	_ =	strace $0xD0000000  }
0x3: {  	_ = 	snop  }
0x4: {  	_ = 	snop  }
0x5: {  	_ = 	snop  }
0x6: {  	_ = 	snop  }
0x7: {  	_ = 	snop  }
__scs_overlays_trampoline_lowered:
0x8: {  	[smem:$0x3FAE] =	sst s0  }
0x9: {  	[smem:$0x3FAF] =	sst s1  }
0xa: {  	[smem:$0x3FB0] =	sst s2  }
0xb: {  	[smem:$0x3FB1] =	sst s3  }
0xc: {  	[smem:$0x3FB2] =	sst s4  }
0xd: {  	[smem:$0x3FB3] =	sst s5  }
0xe: {  	[smem:$0x3FB4] =	sst s6  }
0xf: {  	[smem:$0x3FB5] =	sst s7  }
0x10: {  	[smem:$0x3FB6] =	sst s8  }
0x11: {  	[smem:$0x3FB7] =	sst s9;
	s0 =	simm.s32 @!p0 $0x0  }
0x12: {  	s1 =	sld [smem:$0x3F9D];
	s0 =	simm.s32 @p0 $0x1  }
0x13: {  	[smem:$0x3FB8] =	sst s0;
	s0 =	simm.s32 @!p1 $0x0  }
0x14: {  	s2 =	sld [smem:$0x3F9C];
	s0 =	simm.s32 @p1 $0x1  }
0x15: {  	[smem:$0x3FB9] =	sst s0;
	s0 =	simm.s32 @!p2 $0x0  }
0x16: {  	s3 =	sld [smem:$0x3FDB];
	s0 =	simm.s32 @p2 $0x1  }
0x17: {  	s4 =	simm.s32 $0x1BF5;
	[smem:$0x3FBB] =	sst s0  }
0x18: {  	s0 =	sld [smem:$0x3F9E];
	_ =	swait.ge [sflag:s4], $0x0  }
0x19: {  	s7 =	sld [smem:$0x3F9F]  }
0x1a: {  	s8 =	sadd.s32 $0xFFFFE003, lr  }
0x1b: {  	s9 =	sadd.s32 $0xFFFFFEF7, lr;
	s5 =	simm.s32 $0xFFFFFFFF;
	p2 =	slt.u32 s8, $0xFFFFF086  }
0x1c: {  	p1 =	slt.u32 s9, $0xF7A;
	s5 =	simm.s32 @!p2 $0x0  }
0x1d: {  	s5 =	simm.s32 @p1 $0x1;
	p0 =	seq.s32 s7, s2  }
0x1e: {  	s7 =	smul.u32 @!p0 $0xF7A, s2;
	p2 =	seq.s32 @!p0 s5, $0x0  }
0x1f: {  	s9 =	smul.u32 $0xF7A, s1;
	s8 =	simm.s32 @!p0 $0x1BF5;
	p2 =	por !p2, p0  }
0x20: {  	[sflag:s8] =	ssyncset.s32 @!p0 $0xFFFFF086;
	s6 =	sadd.s32 @!p0 s3, s7;
	s7 =	simm.s32 @!p0 $0x108  }
0x21: {  	s3 =	sadd.s32 s3, s9;
	s6 =	sadd.s32 @!p0 $0x88, s6;
	s7 =	simm.s32 @p2 $0x1082  }
0x22: {  	[simem:s7], [sflag:s8] =	dma.local @!p0 [hbm:s6], $0xF7A  }
0x23: {  	s9 =	sor.u32 $0xD0000000, s2;
	s6 =	simm.s32 $0x108;
	_ =	swait.ge @!p0 [sflag:s8], $0x0  }
0x24: {  	s3 =	sadd.s32 $0x88, s3;
	s6 =	simm.s32 @!p1 $0x1082;
	[sflag:s4] =	ssyncset.s32 $0xFFFFF086  }
0x25: {  	[simem:s6], [sflag:s4] =	dma.local [hbm:s3], $0xF7A  }
0x26: {  	[smem:$0x3F9F] =	sst s1;
	(tag) =	ssettag s2;
	_ =	strace s9  }
0x27: {  	s1 =	sld [smem:$0x3FAF]  }
0x28: {  	s2 =	sld [smem:$0x3FB0]  }
0x29: {  	s4 =	sld [smem:$0x3FB2]  }
0x2a: {  	p0 =	seq.s32 s5, $0x0;
	s5 =	sld [smem:$0x3FB3]  }
0x2b: {  	s6 =	sld [smem:$0x3FB4]  }
0x2c: {  	s7 =	sld [smem:$0x3FB5]  }
0x2d: {  	s3 =	simm.s32 $0x108;
	s8 =	sld [smem:$0x3FB6]  }
0x2e: {  	s3 =	simm.s32 @!p0 $0x1082;
	s9 =	sld [smem:$0x3FB7]  }
0x2f: {  	lr =	sadd.s32 s0, s3;
	s0 =	sld [smem:$0x3FAE]  }
0x30: {  	s3 =	sld [smem:$0x3FB1]  }
0x31: {  	[smem:$0x3FBA] =	sst s10  }
0x32: {  	s10 =	sld [smem:$0x3FB8];
	_ =	sdelay $0x3  }
0x33: {  	p0 =	seq.s32 s10, $0x1;
	s10 =	sld [smem:$0x3FBA];
	_ =	sdelay $0x3  }
0x34: {  	[smem:$0x3FBA] =	sst s10  }
0x35: {  	s10 =	sld [smem:$0x3FB9];
	_ =	sdelay $0x3  }
0x36: {  	p1 =	seq.s32 s10, $0x1;
	s10 =	sld [smem:$0x3FBA];
	_ =	sdelay $0x3  }
0x37: {  	[smem:$0x3FBA] =	sst s10  }
0x38: {  	s10 =	sld [smem:$0x3FBB]  }
0x39: {  	_ = 	snop;
	(pc) =	sbr.ind lr, $3  }
0x3a: {  	_ = 	snop  }
0x3b: {  	_ = 	snop  }
0x3c: {  	p2 =	seq.s32 s10, $0x1;
	s10 =	sld [smem:$0x3FBA]  }
0x3d: {  	_ =	shalt  }
0x3e: {  	_ =	shalt  }
0x3f: {  	_ =	shalt  }
0x40: {  	_ =	shalt  }
0x41: {  	_ =	shalt  }
0x42: {  	_ =	shalt  }
0x43: {  	_ =	shalt  }
0x44: {  	_ =	shalt  }
0x45: {  	_ =	shalt  }
0x46: {  	_ =	shalt  }
0x47: {  	_ =	shalt  }
0x48: {  	_ =	shalt  }
0x49: {  	_ =	shalt  }
0x4a: {  	_ =	shalt  }
0x4b: {  	_ =	shalt  }
0x4c: {  	_ =	shalt  }
0x4d: {  	_ =	shalt  }
0x4e: {  	_ =	shalt  }
0x4f: {  	_ =	shalt  }
0x50: {  	_ =	shalt  }
0x51: {  	_ =	shalt  }
0x52: {  	_ =	shalt  }
0x53: {  	_ =	shalt  }
0x54: {  	_ =	shalt  }
0x55: {  	_ =	shalt  }
0x56: {  	_ =	shalt  }
0x57: {  	_ =	shalt  }
0x58: {  	_ =	shalt  }
0x59: {  	_ =	shalt  }
0x5a: {  	_ =	shalt  }
0x5b: {  	_ =	shalt  }
0x5c: {  	_ =	shalt  }
0x5d: {  	_ =	shalt  }
0x5e: {  	_ =	shalt  }
0x5f: {  	_ =	shalt  }
0x60: {  	_ =	shalt  }
0x61: {  	_ =	shalt  }
0x62: {  	_ =	shalt  }
0x63: {  	_ =	shalt  }
0x64: {  	_ =	shalt  }
0x65: {  	_ =	shalt  }
0x66: {  	_ =	shalt  }
0x67: {  	_ =	shalt  }
0x68: {  	_ =	shalt  }
0x69: {  	_ =	shalt  }
0x6a: {  	_ =	shalt  }
0x6b: {  	_ =	shalt  }
0x6c: {  	_ =	shalt  }
0x6d: {  	_ =	shalt  }
0x6e: {  	_ =	shalt  }
0x6f: {  	_ =	shalt  }
0x70: {  	_ =	shalt  }
0x71: {  	_ =	shalt  }
0x72: {  	_ =	shalt  }
0x73: {  	_ =	shalt  }
0x74: {  	_ =	shalt  }
0x75: {  	_ =	shalt  }
0x76: {  	_ =	shalt  }
0x77: {  	_ =	shalt  }
0x78: {  	_ =	shalt  }
0x79: {  	_ =	shalt  }
0x7a: {  	_ =	shalt  }
0x7b: {  	_ =	shalt  }
0x7c: {  	_ =	shalt  }
0x7d: {  	_ =	shalt  }
0x7e: {  	_ =	shalt  }
0x7f: {  	_ =	shalt  }
0x80: {  	_ =	shalt  }
0x81: {  	_ =	shalt  }
0x82: {  	_ =	shalt  }
0x83: {  	_ =	shalt  }
0x84: {  	_ =	shalt  }
0x85: {  	_ =	shalt  }
0x86: {  	_ =	shalt  }
0x87: {  	_ =	shalt  }
.Lfunc_end0:
.L_simem_size_0:
called_computation_lowered:
.L_overlay_start_0:
0x88: {  	s2 =	sld [smem:$0x3FD9]  }
0x89: {  	s3 =	sld [smem:$0x3FFE];
	_ =	sdelay $0x1  }
0x8a: {  	s1 =	srdreg.scid  }
0x8b: {  	s0 =	sand.u32 $0x1, s1  }
0x8c: {  	s18 =	sshll.u32 s0, $0xA;
	s2 =	sadd.s32 s3, s2  }
0x8d: {  	s2 =	sadd.s32 s2, s18  }
0x8e: {  	[smem:$0x3FC6] =	sst s2  }
0x8f: {  	_ = 	snop  }
0x90: {  	s2 =	sld [smem:$0x3FC9]  }
0x91: {  	s19 =	sld [smem:$0x3FC8]  }
0x92: {  	s4 =	sld [smem:$0x3FD0];
	(tm) =	ssettm $0x1  }
0x93: {  	s5 =	sld [smem:$0x3FFB];
	_ =	sdelay $0x3  }
0x94: {  	_ =	strace s5  }
0x95: {  	s5 =	sld [smem:$0x3FFC];
	_ =	sdelay $0x3  }
0x96: {  	_ =	strace s5  }
0x97: {  	s5 =	sld [smem:$0x3FFD];
	_ =	sdelay $0x3  }
0x98: {  	_ =	strace s5  }
0x99: {  	_ =	strace $0x8FFFFFFF  }
0x9a: {  	s20 =	sld [smem:$0x3FDB];
	_ =	sdelay $0x1  }
0x9b: {  	s6 =	simm.s32 $_scs_section_size  }
0x9c: {  	s7 =	simm.s32 $_size__tile_overlayer_lowered;
	s8 =	simm.s32 $_tile_overlayer_lowered  }
0x9d: {  	s23 =	simm.s32 $0x1BFF;
	s22 =	sshll.u32 s8, $0x1;
	s5 =	sadd.s32 s6, s20  }
0x9e: {  	s9 =	simm.s32 $0x0;
	s21 =	sshll.u32 s7, $0x1;
	s7 =	sadd.s32 s22, s5  }
0x9f: {  	[timem:s9], [sflag:s23] =	dma.local [hbm:s7], s21  }
0xa0: {  	_ =	swait.ge [sflag:s23], s21  }
0xa1: {  	s6 =	ssub.s32 $0x0, s21;
	[sflag:s23] =	ssyncset.done $0x0  }
0xa2: {  	[sflag:s23] =	ssyncadd.s32 s6;
	_ =	sdelay $0x1  }
0xa3: {  	s24 =	simm.s32 $0x1B8B  }
0xa4: {  	_ =	swait.ge [sflag:s24], $0x1  }
0xa5: {  	[sflag:s24] =	ssyncset.done $0x0  }
0xa6: {  	s25 =	simm.s32 $0x1B8E;
	[sflag:s24] =	ssyncadd.s32 $0xFFFFFFFF  }
0xa7: {  	s26 =	simm.s32 $execute0_lowered;
	[smem:$0x3FD2] =	sst s25  }
0xa8: {  	s6 =	sshll.u32 s26, $0x1;
	_ =	strace $0x80000046;
	[dreg:$0x1] =	wrdreg $0xFFFFFFFF  }
0xa9: {  	s28 =	simm.s32 $_size_execute0_lowered;
	s5 =	sadd.s32 s5, s6;
	[dreg:$0x0] =	wrdreg $0x0  }
0xaa: {  	s6 =	sshll.u32 s28, $0x1;
	[dreg:$0x2] =	wrdreg s5  }
0xab: {  	[dreg:$0x3] =	wrdreg s6  }
0xac: {  	[dreg:$0x4] =	wrdreg $0xC0  }
0xad: {  	_ =	task [dreg:s9], $0x5FFFF  }
0xae: {  	[dreg:$0x1] =	wrdreg $0xFFFFFFFF  }
0xaf: {  	[dreg:$0x0] =	wrdreg $0x60  }
0xb0: {  	[dreg:$0x2] =	wrdreg s2  }
0xb1: {  	[dreg:$0x3] =	wrdreg s19  }
0xb2: {  	[dreg:$0x4] =	wrdreg s4  }
0xb3: {  	[dreg:$0x5] =	wrdreg $0x9  }
0xb4: {  	_ =	task.clear_ibuf [dreg:s9], $0x6FFFF;
	_ =	strace $0x90000046  }
0xb5: {  	s29 =	simm.s32 $0x9;
	_ =	strace $0x80000048  }
0xb6: {  	_ =	swait.ge [sflag:s29], $0x1  }
0xb7: {  	[sflag:s29] =	ssyncadd.s32 $0xFFFFFFFF  }
0xb8: {  	_ =	strace $0x90000048  }
0xb9: {  	_ =	sfence  }
0xba: {  	s30 =	sld [smem:$0x0];
	_ =	sdelay $0x2  }
0xbb: {  	s31 =	sshll.u32 s1, $0xD;
	s1 =	sshrl.u32 s1, $0x2  }
0xbc: {  	s3 =	sand.u32 $0x4000, s31;
	s1 =	sadd.s32 s1, s30  }
0xbd: {  	s0 =	sor.u32 s3, s0;
	s1 =	sshll.u32 s1, $0x11  }
0xbe: {  	s0 =	sor.u32 s1, s0  }
0xbf: {  	s0 =	sadd.s32 $0x8F2B, s0  }
0xc0: {  	[sflag:s0] =	ssyncadd.remote.s32 $0x1  }
0xc1: {  	_ =	sfence.sel $0xFFFF  }
0xc2: {  	[dreg:$0x0] =	wrdreg $0xFFFFFFFF;
	(pc) =	sbr.abs _section_cstart, $3  }
0xc3: {  	[dreg:$0x1] =	wrdreg $0xFFFFFFFF  }
0xc4: {  	_ =	task.clear_ibuf [dreg:s9], $0x2FFFF;
	_ =	strace $0x9FFFFFFF  }
0xc5: {  	(tm) =	ssettm $0x7FFFFFFF  }
tec
execute0_lowered:
.L_overlay_start_1:
0x0: {  	(tag) =	ssettag $0x1  }
0x1: {  	s4 =	rddreg [dreg:$0x0]  }
0x2: {  	s2 =	rddreg [dreg:$0x1]  }
0x3: {  	s6 =	rddreg [dreg:$0x2]  }
0x4: {  	s3 =	srdreg.scid;
	s0 =	rddreg [dreg:$0x3]  }
0x5: {  	s1 =	stileid.u32;
	s10 =	simm.s32 $0x400;
	s11 =	simm.s32 $0x20000  }
0x6: {  	s12 =	simm.s32 $0x6400;
	s13 =	simm.s32 $0x19000;
	s14 =	simm.s32 $0x5  }
0x7: {  	s15 =	simm.s32 $0x1;
	s16 =	simm.s32 $0xC800;
	s17 =	simm.s32 $0x2  }
0x8: {  	s18 =	simm.s32 $0x12C00;
	s19 =	simm.s32 $0x3;
	s20 =	simm.s32 $0x4  }
0x9: {  	s21 =	simm.s32 $0x0;
	s5 =	sand.u32 $0x1, s3;
	s3 =	simm.s32 $0x0  }
.Ltmp0:
0xa: {  	s8 =	sshll.u32 s1, $0x9;
	s7 =	sshll.u32 s5, $0xD;
	(pc) =	sbr.rel .LBB2_1-.Ltmp0, $4  }
0xb: {  	[smem:$0x7FF] =	sst s3;
	s5 =	ssub.s32 $0x2, s5;
	s7 =	sor.u32 s8, s7  }
0xc: {  	_ =	strace $0x80000047;
	s31 =	sshrl.u32 s5, $0x1;
	s4 =	sadd.s32 s4, s7  }
0xd: {  	s9 =	ssub.s32 s5, s31;
	s6 =	sadd.s32 s6, s7;
	s5 =	sadd.s32 $0x80, s4  }
0xe: {  	v0 =	vimm.s32 $0x10;
	s7 =	sadd.s32 $0x100, s4;
	s8 =	sadd.s32 $0x180, s4;
	s9 =	smax.u32 s9, $0x1  }
.LBB2_8:
0xf: {  	s21 =	sadd.s32 $0x1, s21  }
0x10: {  	_ =	swait.ge [sflag:s19], $0x6400;
	p0 =	sne.s32 s21, s9  }
.Ltmp1:
0x11: {  	[sflag:s19] =	ssyncset.done $0x0;
	(pc) =	sbr.rel @!p0 .LBB2_9-.Ltmp1, $4  }
0x12: {  	[sflag:s19] =	ssyncadd.s32 $0xFFFF9C00  }
0x13: {  	_ =	swait.ge [sflag:s20], $0x6400  }
0x14: {  	[sflag:s20] =	ssyncset.done $0x0  }
0x15: {  	[sflag:s20] =	ssyncadd.s32 $0xFFFF9C00  }
.LBB2_1:
0x16: {  	[tilespmem:s3], [sflag:$0x1] =	stream.strided.gather [hbm4b:s4+s10], $0x6400, s11, s10, $0x38;
	[tilespmem:$0x19080] =	vst v63  }
0x17: {  	_ = 	snop  }
0x18: {  	[tilespmem:s12], [sflag:$0x2] =	stream.strided.gather [hbm4b:s5+s10], $0x6400, s11, s10, $0x38;
	[tilespmem:$0x19080] =	vst v63  }
0x19: {  	_ = 	snop  }
0x1a: {  	[tilespmem:s13], [sflag:$0x5] =	stream.linear.gather [hbm4b:s2+s3], $0x11, $0x38;
	[tilespmem:$0x19080] =	vst v63  }
0x1b: {  	_ =	swait.ge [sflag:s14], $0x11  }
0x1c: {  	[sflag:s14] =	ssyncset.done $0x0  }
0x1d: {  	p0 =	por $0x1, $0x1;
	s22 =	simm.s32 $0x0;
	[sflag:s14] =	ssyncadd.s32 $0xFFFFFFEF  }
.LBB2_2:
0x1e: {  	_ =	swait.ge [sflag:s15], $0x6400  }
0x1f: {  	[sflag:s15] =	ssyncset.done $0x0  }
0x20: {  	s23 =	simm.s32 @!p0 $0x3;
	[sflag:s15] =	ssyncadd.s32 $0xFFFF9C00  }
0x21: {  	_ =	swait.ge @!p0 [sflag:s23], $0x6400  }
0x22: {  	[sflag:s23] =	ssyncset.done @!p0 $0x0  }
0x23: {  	[sflag:s23] =	ssyncadd.s32 @!p0 $0xFFFF9C00;
	s23 =	simm.s32 $0x0  }
0x24: {  	v1 =	vld [tilespmem:s23+$0x0]  }
0x25: {  	v2 =	vld [tilespmem:s23+$0x40]  }
0x26: {  	v3 =	vld [tilespmem:s23+$0x50]  }
0x27: {  	v6 =	vld [tilespmem:s23+$0x70]  }
0x28: {  	v8 =	vld [tilespmem:s23+$0x20]  }
0x29: {  	v4 =	vld [tilespmem:s23+$0x10];
	v1 =	vmax.f32 v1, $-8.000000000e+00  }
0x2a: {  	v1 =	vmin.f32 v1, $8.000000000e+00  }
0x2b: {  	v5 =	vld [tilespmem:s23+$0x60];
	v2 =	vmax.f32 v2, $-8.000000000e+00;
	v1 =	vadd.f32 $8.000000000e+00, v1  }
0x2c: {  	v3 =	vmax.f32 v3, $-8.000000000e+00;
	v6 =	vmax.f32 v6, $-8.000000000e+00;
	v2 =	vmin.f32 v2, $8.000000000e+00  }
0x2d: {  	s24 =	simm.s32 $0x80;
	v8 =	vmax.f32 v8, $-8.000000000e+00;
	v2 =	vadd.f32 $8.000000000e+00, v2;
	v1 =	vtrunc.f32 v1  }
0x2e: {  	v11 =	vld [tilespmem:s24+$0x40];
	v7 =	vcvt.f32.s32 v1;
	v1 =	vmin.f32 v3, $8.000000000e+00;
	v3 =	vmax.f32 v4, $-8.000000000e+00  }
0x2f: {  	v6 =	vmin.f32 v6, $8.000000000e+00;
	v9 =	vtrunc.f32 v2;
	v3 =	vmin.f32 v3, $8.000000000e+00  }
0x30: {  	v4 =	vadd.f32 $8.000000000e+00, v1;
	v1 =	vmax.f32 v5, $-8.000000000e+00;
	v3 =	vadd.f32 $8.000000000e+00, v3  }
0x31: {  	v6 =	vadd.f32 $8.000000000e+00, v6;
	v9 =	vcvt.f32.s32 v9;
	v5 =	vmin.f32 v1, $8.000000000e+00;
	v1 =	vld [tilespmem:$0x19000]  }
0x32: {  	v14 =	vld [tilespmem:s23+$0x30];
	v5 =	vadd.f32 $8.000000000e+00, v5;
	v4 =	vtrunc.f32 v4;
	v3 =	vtrunc.f32 v3  }
0x33: {  	v11 =	vmax.f32 v11, $-8.000000000e+00;
	v10 =	vcvt.f32.s32 v3;
	v3 =	vtrunc.f32 v6;
	v6 =	vld [tilespmem:s24+$0x0]  }
0x34: {  	v8 =	vmin.f32 v8, $8.000000000e+00;
	v4 =	vcvt.f32.s32 v4;
	v5 =	vtrunc.f32 v5;
	v7 =	vld.idx.msk [tilespmem:v7+s13+$0x0], $0xffff  }
0x35: {  	v8 =	vadd.f32 $8.000000000e+00, v8;
	v2 =	vld.idx.msk [tilespmem:v0+s13+$0x0], $0xffff;
	v5 =	vcvt.f32.s32 v5;
	v3 =	vcvt.f32.s32 v3  }
0x36: {  	v17 =	vld [tilespmem:s24+$0x50];
	vm2 =	veq.s32 v9, $0x10;
	v12 =	vperm.xlane v1, v9;
	v13 =	vperm.xlane v1, v4  }
0x37: {  	vm3 =	veq.s32 v4, $0x10;
	v9 =	vld [tilespmem:s24+$0x10];
	v15 =	vperm.xlane v1, v5;
	v16 =	vperm.xlane v1, v3  }
0x38: {  	vm1 =	veq.s32 v5, $0x10;
	v5 =	vtrunc.f32 v8;
	v4 =	vmax.f32 v6, $-8.000000000e+00  }
0x39: {  	vm0 =	veq.s32 v3, $0x10;
	v5 =	vcvt.f32.s32 v5;
	v6 =	vld [tilespmem:s24+$0x60];
	v3 =	vmin.f32 v4, $8.000000000e+00;
	[tilespmem:s23+$0xC800] =	vst v7  }
0x3a: {  	v4 =	vsel vm2, v2, v12;
	v7 =	vmin.f32 v11, $8.000000000e+00;
	v12 =	vmax.f32 v14, $-8.000000000e+00;
	v10 =	vld.idx.msk [tilespmem:v10+s13+$0x0], $0xffff  }
0x3b: {  	v11 =	vld [tilespmem:s24+$0x70];
	v8 =	vadd.f32 $8.000000000e+00, v3;
	v3 =	vsel vm3, v2, v13;
	v13 =	vmax.f32 v17, $-8.000000000e+00  }
0x3c: {  	v12 =	vmin.f32 v12, $8.000000000e+00;
	v14 =	vadd.f32 $8.000000000e+00, v7;
	v7 =	vmax.f32 v9, $-8.000000000e+00  }
0x3d: {  	v13 =	vmin.f32 v13, $8.000000000e+00;
	v12 =	vadd.f32 $8.000000000e+00, v12;
	v8 =	vtrunc.f32 v8  }
0x3e: {  	v13 =	vadd.f32 $8.000000000e+00, v13;
	v8 =	vcvt.f32.s32 v8;
	v6 =	vmax.f32 v6, $-8.000000000e+00  }
0x3f: {  	v9 =	vtrunc.f32 v12;
	v12 =	vmin.f32 v7, $8.000000000e+00;
	v6 =	vmin.f32 v6, $8.000000000e+00;
	[tilespmem:s23+$0xC810] =	vst v10  }
0x40: {  	v11 =	vmax.f32 v11, $-8.000000000e+00;
	v7 =	vcvt.f32.s32 v9;
	v9 =	vadd.f32 $8.000000000e+00, v12;
	v10 =	vld.idx.msk [tilespmem:v5+s13+$0x0], $0xffff  }
0x41: {  	v6 =	vadd.f32 $8.000000000e+00, v6;
	v11 =	vmin.f32 v11, $8.000000000e+00;
	v5 =	vsel vm1, v2, v15;
	v15 =	vld [tilespmem:s24+$0x20]  }
0x42: {  	v14 =	vtrunc.f32 v14;
	v13 =	vtrunc.f32 v13;
	v11 =	vadd.f32 $8.000000000e+00, v11  }
0x43: {  	v9 =	vtrunc.f32 v9;
	v12 =	vtrunc.f32 v6  }
0x44: {  	s25 =	simm.s32 $0x100;
	s26 =	simm.s32 $0x600;
	v6 =	vsel vm0, v2, v16;
	v9 =	vcvt.f32.s32 v9;
	v11 =	vtrunc.f32 v11;
	v8 =	vld.idx.msk [tilespmem:v8+s13+$0x0], $0xffff  }
.LBB2_3:
0x45: {  	p1 =	sne.s32 s26, $0x18E00;
	v16 =	vld [tilespmem:s25+$0x0];
	v14 =	vcvt.f32.s32 v14;
	v13 =	vcvt.f32.s32 v13;
	[tilespmem:s23+$0xC820] =	vst v10  }
0x46: {  	v12 =	vcvt.f32.s32 v12;
	v11 =	vcvt.f32.s32 v11;
	v10 =	vmax.f32 v15, $-8.000000000e+00;
	v7 =	vld.idx.msk [tilespmem:v7+s13+$0x0], $0xffff;
	[tilespmem:s23+$0xC840] =	vst v4  }
0x47: {  	v15 =	vld [tilespmem:s25+$0x40];
	v4 =	vmin.f32 v10, $8.000000000e+00;
	v10 =	vperm.xlane v1, v14;
	v17 =	vperm.xlane v1, v13;
	[tilespmem:s23+$0xC850] =	vst v3  }
0x48: {  	v19 =	vperm.xlane v1, v12;
	v20 =	vperm.xlane v1, v11;
	v3 =	vadd.f32 $8.000000000e+00, v4;
	v18 =	vld [tilespmem:s24+$0x30];
	[tilespmem:s23+$0xC860] =	vst v5  }
0x49: {  	vm1 =	veq.s32 v14, $0x10;
	vm2 =	veq.s32 v13, $0x10;
	vm3 =	veq.s32 v12, $0x10;
	v21 =	vld [tilespmem:s25+$0x50];
	[tilespmem:s24+$0xC800] =	vst v8  }
0x4a: {  	vm0 =	veq.s32 v11, $0x10;
	v4 =	vmax.f32 v16, $-8.000000000e+00;
	v8 =	vld.idx.msk [tilespmem:v9+s13+$0x0], $0xffff;
	v3 =	vtrunc.f32 v3;
	[tilespmem:s23+$0xC870] =	vst v6  }
0x4b: {  	v5 =	vmin.f32 v4, $8.000000000e+00;
	v6 =	vld [tilespmem:s25+$0x60];
	v9 =	vcvt.f32.s32 v3;
	v4 =	vsel vm1, v2, v10  }
0x4c: {  	v3 =	vsel vm2, v2, v17;
	v10 =	vadd.f32 $8.000000000e+00, v5;
	v11 =	vld [tilespmem:s25+$0x10];
	v5 =	vmax.f32 v15, $-8.000000000e+00;
	[tilespmem:s23+$0xC830] =	vst v7;
	s23 =	smov.u32 s24;
	s24 =	smov.u32 s25  }
0x4d: {  	v7 =	vmin.f32 v5, $8.000000000e+00;
	v12 =	vld [tilespmem:s24+$0x70];
	v13 =	vmax.f32 v18, $-8.000000000e+00;
	v5 =	vsel vm3, v2, v19  }
0x4e: {  	v10 =	vtrunc.f32 v10;
	v14 =	vmax.f32 v21, $-8.000000000e+00;
	v13 =	vmin.f32 v13, $8.000000000e+00  }
0x4f: {  	v16 =	vcvt.f32.s32 v10;
	v10 =	vmin.f32 v14, $8.000000000e+00;
	v13 =	vadd.f32 $8.000000000e+00, v13  }
0x50: {  	v14 =	vadd.f32 $8.000000000e+00, v7;
	v17 =	vadd.f32 $8.000000000e+00, v10;
	v6 =	vmax.f32 v6, $-8.000000000e+00;
	[tilespmem:s23+$0xC810] =	vst v8  }
0x51: {  	v7 =	vmax.f32 v11, $-8.000000000e+00;
	v6 =	vmin.f32 v6, $8.000000000e+00;
	v10 =	vld.idx.msk [tilespmem:v9+s13+$0x0], $0xffff;
	v8 =	vtrunc.f32 v13  }
.Ltmp2:
0x52: {  	v9 =	vmin.f32 v7, $8.000000000e+00;
	v11 =	vmax.f32 v12, $-8.000000000e+00;
	v7 =	vcvt.f32.s32 v8;
	(pc) =	sbr.rel @p1 .LBB2_3-.Ltmp2, $4  }
0x53: {  	v6 =	vadd.f32 $8.000000000e+00, v6;
	v9 =	vadd.f32 $8.000000000e+00, v9;
	v15 =	vld [tilespmem:s24+$0x20];
	v8 =	vmin.f32 v11, $8.000000000e+00  }
0x54: {  	v14 =	vtrunc.f32 v14;
	v13 =	vtrunc.f32 v17;
	v11 =	vadd.f32 $8.000000000e+00, v8  }
0x55: {  	v12 =	vtrunc.f32 v6;
	v6 =	vsel vm0, v2, v20;
	v8 =	vld.idx.msk [tilespmem:v16+s13+$0x0], $0xffff;
	v9 =	vtrunc.f32 v9  }
0x56: {  	s25 =	sshra.s32 s26, $0x2;
	s26 =	sadd.s32 $0x200, s26;
	v9 =	vcvt.f32.s32 v9;
	v11 =	vtrunc.f32 v11  }
0x57: {  	v16 =	vld [tilespmem:s25+$0x0];
	_ =	sdelay $0x4  }
0x58: {  	v16 =	vmax.f32 v16, $-8.000000000e+00  }
0x59: {  	v17 =	vld [tilespmem:s25+$0x10];
	v16 =	vmin.f32 v16, $8.000000000e+00  }
0x5a: {  	v16 =	vadd.f32 $8.000000000e+00, v16;
	_ =	sdelay $0x1  }
0x5b: {  	v16 =	vtrunc.f32 v16  }
0x5c: {  	v15 =	vmax.f32 v15, $-8.000000000e+00;
	v16 =	vcvt.f32.s32 v16  }
0x5d: {  	v18 =	vld [tilespmem:s24+$0x30];
	v15 =	vmin.f32 v15, $8.000000000e+00;
	v17 =	vmax.f32 v17, $-8.000000000e+00  }
0x5e: {  	[tilespmem:s23+$0xC820] =	vst v10;
	v10 =	vadd.f32 $8.000000000e+00, v15;
	v15 =	vmin.f32 v17, $8.000000000e+00;
	v17 =	vld [tilespmem:s25+$0x20]  }
0x5f: {  	v14 =	vcvt.f32.s32 v14;
	v13 =	vcvt.f32.s32 v13;
	v19 =	vld [tilespmem:s25+$0x40];
	v15 =	vadd.f32 $8.000000000e+00, v15  }
0x60: {  	v12 =	vcvt.f32.s32 v12;
	v20 =	vld [tilespmem:s25+$0x50];
	[tilespmem:s24+$0xC800] =	vst v8;
	v8 =	vtrunc.f32 v10  }
0x61: {  	v9 =	vld.idx.msk [tilespmem:v9+s13+$0x0], $0xffff;
	v8 =	vcvt.f32.s32 v8;
	v10 =	vtrunc.f32 v15  }
0x62: {  	v11 =	vcvt.f32.s32 v11;
	v15 =	vmax.f32 v18, $-8.000000000e+00;
	v10 =	vcvt.f32.s32 v10;
	v16 =	vld.idx.msk [tilespmem:v16+s13+$0x0], $0xffff  }
0x63: {  	v7 =	vld.idx.msk [tilespmem:v7+s13+$0x0], $0xffff;
	v63 =	vperm.xlane v1, v14;
	v15 =	vmin.f32 v15, $8.000000000e+00;
	v17 =	vmax.f32 v17, $-8.000000000e+00  }
0x64: {  	[tilespmem:s23+$0xC840] =	vst v4;
	vm0 =	veq.s32 v14, $0x10;
	v14 =	vadd.f32 $8.000000000e+00, v15;
	v15 =	vmin.f32 v17, $8.000000000e+00;
	v17 =	vld [tilespmem:s25+$0x30]  }
0x65: {  	[tilespmem:s23+$0xC850] =	vst v3;
	v21 =	vperm.xlane v1, v13;
	vm1 =	veq.s32 v13, $0x10;
	v13 =	vld [tilespmem:s25+$0x60];
	v15 =	vadd.f32 $8.000000000e+00, v15  }
0x66: {  	vm8 =	veq.s32 v12, $0x10;
	v4 =	vperm.xlane v1, v12;
	[tilespmem:s24+$0xC810] =	vst v9;
	v9 =	vld [tilespmem:s25+$0x70]  }
0x67: {  	v3 =	vperm.xlane v1, v11;
	vm9 =	veq.s32 v11, $0x10;
	v8 =	vld.idx.msk [tilespmem:v8+s13+$0x0], $0xffff;
	v15 =	vtrunc.f32 v15;
	[tilespmem:s25+$0xC800] =	vst v16  }
0x68: {  	[tilespmem:s23+$0xC860] =	vst v5;
	v5 =	vmax.f32 v19, $-8.000000000e+00;
	v14 =	vtrunc.f32 v14;
	v12 =	vcvt.f32.s32 v15;
	v10 =	vld.idx.msk [tilespmem:v10+s13+$0x0], $0xffff  }
0x69: {  	v5 =	vmin.f32 v5, $8.000000000e+00;
	v14 =	vcvt.f32.s32 v14;
	v11 =	vmax.f32 v17, $-8.000000000e+00  }
0x6a: {  	v5 =	vadd.f32 $8.000000000e+00, v5;
	v13 =	vmax.f32 v13, $-8.000000000e+00;
	v11 =	vmin.f32 v11, $8.000000000e+00  }
0x6b: {  	[tilespmem:s23+$0xC870] =	vst v6;
	v18 =	vsel vm0, v2, v63;
	v15 =	vmax.f32 v20, $-8.000000000e+00;
	v11 =	vadd.f32 $8.000000000e+00, v11  }
0x6c: {  	v5 =	vtrunc.f32 v5;
	v9 =	vmax.f32 v9, $-8.000000000e+00;
	v6 =	vmin.f32 v15, $8.000000000e+00;
	[tilespmem:s24+$0xC820] =	vst v8  }
0x6d: {  	v8 =	vmin.f32 v13, $8.000000000e+00;
	v6 =	vadd.f32 $8.000000000e+00, v6;
	[tilespmem:s25+$0xC810] =	vst v10;
	v10 =	vtrunc.f32 v11  }
0x6e: {  	[tilespmem:s23+$0xC830] =	vst v7;
	v7 =	vadd.f32 $8.000000000e+00, v8;
	v8 =	vmin.f32 v9, $8.000000000e+00;
	v9 =	vld.idx.msk [tilespmem:v12+s13+$0x0], $0xffff;
	v10 =	vcvt.f32.s32 v10  }
0x6f: {  	v4 =	vsel vm8, v2, v4;
	v5 =	vcvt.f32.s32 v5;
	v8 =	vadd.f32 $8.000000000e+00, v8;
	v13 =	vld.idx.msk [tilespmem:v14+s13+$0x0], $0xffff;
	[tilespmem:s24+$0xC840] =	vst v18  }
0x70: {  	v3 =	vsel vm9, v2, v3;
	v6 =	vtrunc.f32 v6;
	v7 =	vtrunc.f32 v7;
	[tilespmem:s24+$0xC860] =	vst v4  }
0x71: {  	[tilespmem:s24+$0xC870] =	vst v3;
	v16 =	vsel vm1, v2, v21;
	v8 =	vtrunc.f32 v8;
	v6 =	vcvt.f32.s32 v6  }
0x72: {  	v4 =	vcvt.f32.s32 v7;
	v7 =	vperm.xlane v1, v5;
	[tilespmem:s24+$0xC850] =	vst v16  }
0x73: {  	vm10 =	veq.s32 v5, $0x10;
	v3 =	vcvt.f32.s32 v8;
	v8 =	vperm.xlane v1, v6;
	[tilespmem:s25+$0xC820] =	vst v9  }
0x74: {  	v5 =	vperm.xlane v1, v4;
	vm11 =	veq.s32 v6, $0x10;
	v6 =	vsel vm10, v2, v7;
	[tilespmem:s24+$0xC830] =	vst v13;
	v7 =	vld.idx.msk [tilespmem:v10+s13+$0x0], $0xffff  }
0x75: {  	vm12 =	veq.s32 v4, $0x10;
	v1 =	vperm.xlane v1, v3;
	v4 =	vsel vm11, v2, v8;
	[tilespmem:s25+$0xC840] =	vst v6  }
0x76: {  	vm13 =	veq.s32 v3, $0x10;
	v3 =	vsel vm12, v2, v5;
	[tilespmem:s25+$0xC850] =	vst v4  }
0x77: {  	v1 =	vsel vm13, v2, v1;
	[tilespmem:s25+$0xC860] =	vst v3  }
0x78: {  	[tilespmem:s25+$0xC870] =	vst v1  }
0x79: {  	s31 =	sadd.s32 s22, s6;
	[tilespmem:s25+$0xC830] =	vst v7  }
0x7a: {  	[hbm4b:s31+s10] =	stream.strided.scatter [tilespmem:s16], [sflag:$0x3], $0x6400, s11, s10, $0x38;
	[tilespmem:$0x19080] =	vst v63  }
0x7b: {  	s23 =	simm.s32 @p0 $0x400;
	s24 =	simm.s32 @p0 $0x20000;
	s25 =	simm.s32 @p0 $0x0  }
0x7c: {  	[tilespmem:s25], [sflag:$0x1] =	stream.strided.gather @p0 [hbm4b:s7+s23], $0x6400, s24, s23, $0x38;
	[tilespmem:$0x19080] =	vst v63  }
0x7d: {  	_ =	swait.ge [sflag:s17], $0x6400  }
0x7e: {  	[sflag:s17] =	ssyncset.done $0x0  }
0x7f: {  	s23 =	simm.s32 @!p0 $0x4;
	[sflag:s17] =	ssyncadd.s32 $0xFFFF9C00  }
0x80: {  	_ =	swait.ge @!p0 [sflag:s23], $0x6400  }
0x81: {  	[sflag:s23] =	ssyncset.done @!p0 $0x0  }
0x82: {  	[sflag:s23] =	ssyncadd.s32 @!p0 $0xFFFF9C00;
	s23 =	simm.s32 $0x0  }
0x83: {  	v1 =	vld [tilespmem:s23+$0x6400]  }
0x84: {  	v2 =	vld [tilespmem:s23+$0x6440]  }
0x85: {  	v3 =	vld [tilespmem:s23+$0x6450]  }
0x86: {  	v6 =	vld [tilespmem:s23+$0x6470]  }
0x87: {  	v8 =	vld [tilespmem:s23+$0x6420]  }
0x88: {  	v4 =	vld [tilespmem:s23+$0x6410];
	v1 =	vmax.f32 v1, $-8.000000000e+00  }
0x89: {  	v1 =	vmin.f32 v1, $8.000000000e+00  }
0x8a: {  	v5 =	vld [tilespmem:s23+$0x6460];
	v2 =	vmax.f32 v2, $-8.000000000e+00;
	v1 =	vadd.f32 $8.000000000e+00, v1  }
0x8b: {  	v3 =	vmax.f32 v3, $-8.000000000e+00;
	v6 =	vmax.f32 v6, $-8.000000000e+00;
	v2 =	vmin.f32 v2, $8.000000000e+00  }
0x8c: {  	s24 =	simm.s32 $0x80;
	v8 =	vmax.f32 v8, $-8.000000000e+00;
	v2 =	vadd.f32 $8.000000000e+00, v2;
	v1 =	vtrunc.f32 v1  }
0x8d: {  	v11 =	vld [tilespmem:s24+$0x6440];
	v7 =	vcvt.f32.s32 v1;
	v1 =	vmin.f32 v3, $8.000000000e+00;
	v3 =	vmax.f32 v4, $-8.000000000e+00  }
0x8e: {  	v6 =	vmin.f32 v6, $8.000000000e+00;
	v9 =	vtrunc.f32 v2;
	v3 =	vmin.f32 v3, $8.000000000e+00  }
0x8f: {  	v4 =	vadd.f32 $8.000000000e+00, v1;
	v1 =	vmax.f32 v5, $-8.000000000e+00;
	v3 =	vadd.f32 $8.000000000e+00, v3  }
0x90: {  	v6 =	vadd.f32 $8.000000000e+00, v6;
	v9 =	vcvt.f32.s32 v9;
	v5 =	vmin.f32 v1, $8.000000000e+00;
	v1 =	vld [tilespmem:$0x19000]  }
0x91: {  	v14 =	vld [tilespmem:s23+$0x6430];
	v5 =	vadd.f32 $8.000000000e+00, v5;
	v4 =	vtrunc.f32 v4;
	v3 =	vtrunc.f32 v3  }
0x92: {  	v11 =	vmax.f32 v11, $-8.000000000e+00;
	v10 =	vcvt.f32.s32 v3;
	v3 =	vtrunc.f32 v6;
	v6 =	vld [tilespmem:s24+$0x6400]  }
0x93: {  	v8 =	vmin.f32 v8, $8.000000000e+00;
	v4 =	vcvt.f32.s32 v4;
	v5 =	vtrunc.f32 v5;
	v7 =	vld.idx.msk [tilespmem:v7+s13+$0x0], $0xffff  }
0x94: {  	v8 =	vadd.f32 $8.000000000e+00, v8;
	v2 =	vld.idx.msk [tilespmem:v0+s13+$0x0], $0xffff;
	v5 =	vcvt.f32.s32 v5;
	v3 =	vcvt.f32.s32 v3  }
0x95: {  	v17 =	vld [tilespmem:s24+$0x6450];
	vm2 =	veq.s32 v9, $0x10;
	v12 =	vperm.xlane v1, v9;
	v13 =	vperm.xlane v1, v4  }
0x96: {  	vm3 =	veq.s32 v4, $0x10;
	v9 =	vld [tilespmem:s24+$0x6410];
	v15 =	vperm.xlane v1, v5;
	v16 =	vperm.xlane v1, v3  }
0x97: {  	vm14 =	veq.s32 v5, $0x10;
	v5 =	vtrunc.f32 v8;
	v4 =	vmax.f32 v6, $-8.000000000e+00  }
0x98: {  	vm15 =	veq.s32 v3, $0x10;
	v5 =	vcvt.f32.s32 v5;
	v6 =	vld [tilespmem:s24+$0x6460];
	v3 =	vmin.f32 v4, $8.000000000e+00;
	[tilespmem:s23+$0x12C00] =	vst v7  }
0x99: {  	v4 =	vsel vm2, v2, v12;
	v7 =	vmin.f32 v11, $8.000000000e+00;
	v12 =	vmax.f32 v14, $-8.000000000e+00;
	v10 =	vld.idx.msk [tilespmem:v10+s13+$0x0], $0xffff  }
0x9a: {  	v11 =	vld [tilespmem:s24+$0x6470];
	v8 =	vadd.f32 $8.000000000e+00, v3;
	v3 =	vsel vm3, v2, v13;
	v13 =	vmax.f32 v17, $-8.000000000e+00  }
0x9b: {  	v12 =	vmin.f32 v12, $8.000000000e+00;
	v14 =	vadd.f32 $8.000000000e+00, v7;
	v7 =	vmax.f32 v9, $-8.000000000e+00  }
0x9c: {  	v13 =	vmin.f32 v13, $8.000000000e+00;
	v12 =	vadd.f32 $8.000000000e+00, v12;
	v8 =	vtrunc.f32 v8  }
0x9d: {  	v13 =	vadd.f32 $8.000000000e+00, v13;
	v8 =	vcvt.f32.s32 v8;
	v6 =	vmax.f32 v6, $-8.000000000e+00  }
0x9e: {  	v9 =	vtrunc.f32 v12;
	v12 =	vmin.f32 v7, $8.000000000e+00;
	v6 =	vmin.f32 v6, $8.000000000e+00;
	[tilespmem:s23+$0x12C10] =	vst v10  }
0x9f: {  	v11 =	vmax.f32 v11, $-8.000000000e+00;
	v7 =	vcvt.f32.s32 v9;
	v9 =	vadd.f32 $8.000000000e+00, v12;
	v10 =	vld.idx.msk [tilespmem:v5+s13+$0x0], $0xffff  }
0xa0: {  	v6 =	vadd.f32 $8.000000000e+00, v6;
	v11 =	vmin.f32 v11, $8.000000000e+00;
	v5 =	vsel vm14, v2, v15;
	v15 =	vld [tilespmem:s24+$0x6420]  }
0xa1: {  	v14 =	vtrunc.f32 v14;
	v13 =	vtrunc.f32 v13;
	v11 =	vadd.f32 $8.000000000e+00, v11  }
0xa2: {  	v9 =	vtrunc.f32 v9;
	v12 =	vtrunc.f32 v6  }
0xa3: {  	s22 =	sor.u32 $0x80, s22;
	s26 =	simm.s32 $0x600;
	s25 =	simm.s32 $0x100;
	v6 =	vsel vm15, v2, v16;
	v9 =	vcvt.f32.s32 v9;
	v11 =	vtrunc.f32 v11;
	v8 =	vld.idx.msk [tilespmem:v8+s13+$0x0], $0xffff  }
.LBB2_5:
0xa4: {  	p1 =	sne.s32 s26, $0x18E00;
	v16 =	vld [tilespmem:s25+$0x6400];
	v14 =	vcvt.f32.s32 v14;
	v13 =	vcvt.f32.s32 v13;
	[tilespmem:s23+$0x12C20] =	vst v10  }
0xa5: {  	v12 =	vcvt.f32.s32 v12;
	v11 =	vcvt.f32.s32 v11;
	v10 =	vmax.f32 v15, $-8.000000000e+00;
	v7 =	vld.idx.msk [tilespmem:v7+s13+$0x0], $0xffff;
	[tilespmem:s23+$0x12C40] =	vst v4  }
0xa6: {  	v15 =	vld [tilespmem:s25+$0x6440];
	v4 =	vmin.f32 v10, $8.000000000e+00;
	v10 =	vperm.xlane v1, v14;
	v17 =	vperm.xlane v1, v13;
	[tilespmem:s23+$0x12C50] =	vst v3  }
0xa7: {  	v19 =	vperm.xlane v1, v12;
	v20 =	vperm.xlane v1, v11;
	v3 =	vadd.f32 $8.000000000e+00, v4;
	v18 =	vld [tilespmem:s24+$0x6430];
	[tilespmem:s23+$0x12C60] =	vst v5  }
0xa8: {  	vm1 =	veq.s32 v14, $0x10;
	vm2 =	veq.s32 v13, $0x10;
	vm3 =	veq.s32 v12, $0x10;
	v21 =	vld [tilespmem:s25+$0x6450];
	[tilespmem:s24+$0x12C00] =	vst v8  }
0xa9: {  	vm0 =	veq.s32 v11, $0x10;
	v4 =	vmax.f32 v16, $-8.000000000e+00;
	v8 =	vld.idx.msk [tilespmem:v9+s13+$0x0], $0xffff;
	v3 =	vtrunc.f32 v3;
	[tilespmem:s23+$0x12C70] =	vst v6  }
0xaa: {  	v5 =	vmin.f32 v4, $8.000000000e+00;
	v6 =	vld [tilespmem:s25+$0x6460];
	v9 =	vcvt.f32.s32 v3;
	v4 =	vsel vm1, v2, v10  }
0xab: {  	v3 =	vsel vm2, v2, v17;
	v10 =	vadd.f32 $8.000000000e+00, v5;
	v11 =	vld [tilespmem:s25+$0x6410];
	v5 =	vmax.f32 v15, $-8.000000000e+00;
	[tilespmem:s23+$0x12C30] =	vst v7;
	s23 =	smov.u32 s24;
	s24 =	smov.u32 s25  }
0xac: {  	v7 =	vmin.f32 v5, $8.000000000e+00;
	v12 =	vld [tilespmem:s24+$0x6470];
	v13 =	vmax.f32 v18, $-8.000000000e+00;
	v5 =	vsel vm3, v2, v19  }
0xad: {  	v10 =	vtrunc.f32 v10;
	v14 =	vmax.f32 v21, $-8.000000000e+00;
	v13 =	vmin.f32 v13, $8.000000000e+00  }
0xae: {  	v16 =	vcvt.f32.s32 v10;
	v10 =	vmin.f32 v14, $8.000000000e+00;
	v13 =	vadd.f32 $8.000000000e+00, v13  }
0xaf: {  	v14 =	vadd.f32 $8.000000000e+00, v7;
	v17 =	vadd.f32 $8.000000000e+00, v10;
	v6 =	vmax.f32 v6, $-8.000000000e+00;
	[tilespmem:s23+$0x12C10] =	vst v8  }
0xb0: {  	v7 =	vmax.f32 v11, $-8.000000000e+00;
	v6 =	vmin.f32 v6, $8.000000000e+00;
	v10 =	vld.idx.msk [tilespmem:v9+s13+$0x0], $0xffff;
	v8 =	vtrunc.f32 v13  }
.Ltmp3:
0xb1: {  	v9 =	vmin.f32 v7, $8.000000000e+00;
	v11 =	vmax.f32 v12, $-8.000000000e+00;
	v7 =	vcvt.f32.s32 v8;
	(pc) =	sbr.rel @p1 .LBB2_5-.Ltmp3, $4  }
0xb2: {  	v6 =	vadd.f32 $8.000000000e+00, v6;
	v9 =	vadd.f32 $8.000000000e+00, v9;
	v15 =	vld [tilespmem:s24+$0x6420];
	v8 =	vmin.f32 v11, $8.000000000e+00  }
0xb3: {  	v14 =	vtrunc.f32 v14;
	v13 =	vtrunc.f32 v17;
	v11 =	vadd.f32 $8.000000000e+00, v8  }
0xb4: {  	v12 =	vtrunc.f32 v6;
	v6 =	vsel vm0, v2, v20;
	v8 =	vld.idx.msk [tilespmem:v16+s13+$0x0], $0xffff;
	v9 =	vtrunc.f32 v9  }
0xb5: {  	s25 =	sshra.s32 s26, $0x2;
	s26 =	sadd.s32 $0x200, s26;
	v9 =	vcvt.f32.s32 v9;
	v11 =	vtrunc.f32 v11  }
0xb6: {  	v16 =	vld [tilespmem:s25+$0x6400];
	_ =	sdelay $0x4  }
0xb7: {  	v16 =	vmax.f32 v16, $-8.000000000e+00  }
0xb8: {  	v17 =	vld [tilespmem:s25+$0x6410];
	v16 =	vmin.f32 v16, $8.000000000e+00  }
0xb9: {  	v16 =	vadd.f32 $8.000000000e+00, v16;
	_ =	sdelay $0x1  }
0xba: {  	v16 =	vtrunc.f32 v16  }
0xbb: {  	v16 =	vcvt.f32.s32 v16  }
0xbc: {  	v18 =	vld [tilespmem:s24+$0x6430];
	v15 =	vmax.f32 v15, $-8.000000000e+00;
	v17 =	vmax.f32 v17, $-8.000000000e+00  }
0xbd: {  	v34 =	vld [tilespmem:s25+$0x6420];
	v14 =	vcvt.f32.s32 v14;
	v15 =	vmin.f32 v15, $8.000000000e+00;
	v33 =	vmin.f32 v17, $8.000000000e+00  }
0xbe: {  	v13 =	vcvt.f32.s32 v13;
	v32 =	vadd.f32 $8.000000000e+00, v15;
	v15 =	vadd.f32 $8.000000000e+00, v33  }
0xbf: {  	v19 =	vld [tilespmem:s25+$0x6440];
	v12 =	vcvt.f32.s32 v12;
	v11 =	vcvt.f32.s32 v11  }
0xc0: {  	[tilespmem:s23+$0x12C20] =	vst v10;
	v20 =	vld [tilespmem:s25+$0x6450];
	v38 =	vperm.xlane v1, v14;
	v36 =	vtrunc.f32 v15  }
0xc1: {  	[tilespmem:s24+$0x12C00] =	vst v8;
	v35 =	vtrunc.f32 v32;
	v10 =	vcvt.f32.s32 v36;
	v16 =	vld.idx.msk [tilespmem:v16+s13+$0x0], $0xffff  }
0xc2: {  	v9 =	vld.idx.msk [tilespmem:v9+s13+$0x0], $0xffff;
	v37 =	vmax.f32 v18, $-8.000000000e+00;
	v8 =	vcvt.f32.s32 v35;
	v17 =	vmax.f32 v34, $-8.000000000e+00  }
0xc3: {  	v41 =	vld [tilespmem:s25+$0x6430];
	vm0 =	veq.s32 v14, $0x10;
	v40 =	vmin.f32 v17, $8.000000000e+00;
	v15 =	vmin.f32 v37, $8.000000000e+00  }
0xc4: {  	v42 =	vld [tilespmem:s25+$0x6460];
	v21 =	vperm.xlane v1, v13;
	v39 =	vadd.f32 $8.000000000e+00, v15;
	v15 =	vadd.f32 $8.000000000e+00, v40  }
0xc5: {  	v7 =	vld.idx.msk [tilespmem:v7+s13+$0x0], $0xffff;
	[tilespmem:s23+$0x12C50] =	vst v3;
	vm1 =	veq.s32 v13, $0x10;
	vm10 =	veq.s32 v12, $0x10;
	v45 =	vperm.xlane v1, v12  }
0xc6: {  	v43 =	vld [tilespmem:s25+$0x6470];
	v3 =	vperm.xlane v1, v11;
	vm11 =	veq.s32 v11, $0x10;
	v15 =	vtrunc.f32 v15;
	[tilespmem:s25+$0x12C00] =	vst v16  }
0xc7: {  	v44 =	vsel vm1, v2, v21;
	[tilespmem:s24+$0x12C10] =	vst v9;
	v14 =	vtrunc.f32 v39;
	v46 =	vcvt.f32.s32 v15;
	v10 =	vld.idx.msk [tilespmem:v10+s13+$0x0], $0xffff  }
0xc8: {  	[tilespmem:s23+$0x12C40] =	vst v4;
	v4 =	vsel vm10, v2, v45;
	v47 =	vmax.f32 v41, $-8.000000000e+00;
	v8 =	vld.idx.msk [tilespmem:v8+s13+$0x0], $0xffff;
	v14 =	vcvt.f32.s32 v14  }
0xc9: {  	[tilespmem:s23+$0x12C60] =	vst v5;
	v18 =	vsel vm0, v2, v38;
	v48 =	vmax.f32 v19, $-8.000000000e+00;
	v11 =	vmin.f32 v47, $8.000000000e+00  }
0xca: {  	[tilespmem:s23+$0x12C70] =	vst v6;
	v49 =	vmax.f32 v20, $-8.000000000e+00;
	v13 =	vmax.f32 v42, $-8.000000000e+00;
	v11 =	vadd.f32 $8.000000000e+00, v11  }
0xcb: {  	v5 =	vmin.f32 v48, $8.000000000e+00;
	v50 =	vmin.f32 v49, $8.000000000e+00;
	v51 =	vmin.f32 v13, $8.000000000e+00;
	[tilespmem:s23+$0x12C30] =	vst v7  }
0xcc: {  	v5 =	vadd.f32 $8.000000000e+00, v5;
	v6 =	vadd.f32 $8.000000000e+00, v50;
	v53 =	vtrunc.f32 v11;
	[tilespmem:s25+$0x12C10] =	vst v10  }
0xcd: {  	v54 =	vadd.f32 $8.000000000e+00, v51;
	v9 =	vmax.f32 v43, $-8.000000000e+00;
	[tilespmem:s24+$0x12C20] =	vst v8;
	v10 =	vcvt.f32.s32 v53;
	v56 =	vld.idx.msk [tilespmem:v46+s13+$0x0], $0xffff  }
0xce: {  	v5 =	vtrunc.f32 v5;
	v6 =	vtrunc.f32 v6;
	v55 =	vmin.f32 v9, $8.000000000e+00;
	v52 =	vld.idx.msk [tilespmem:v14+s13+$0x0], $0xffff;
	[tilespmem:s24+$0x12C40] =	vst v18  }
0xcf: {  	v7 =	vtrunc.f32 v54;
	v5 =	vcvt.f32.s32 v5;
	v8 =	vadd.f32 $8.000000000e+00, v55;
	[tilespmem:s24+$0x12C50] =	vst v44  }
0xd0: {  	v3 =	vsel vm11, v2, v3;
	v6 =	vcvt.f32.s32 v6;
	v57 =	vcvt.f32.s32 v7;
	[tilespmem:s24+$0x12C60] =	vst v4  }
0xd1: {  	v58 =	vperm.xlane v1, v5;
	v8 =	vtrunc.f32 v8;
	[tilespmem:s24+$0x12C70] =	vst v3  }
0xd2: {  	v59 =	vperm.xlane v1, v6;
	vm12 =	veq.s32 v5, $0x10;
	v3 =	vcvt.f32.s32 v8;
	[tilespmem:s25+$0x12C20] =	vst v56  }
0xd3: {  	v60 =	vperm.xlane v1, v57;
	vm13 =	veq.s32 v6, $0x10;
	v61 =	vsel vm12, v2, v58;
	[tilespmem:s24+$0x12C30] =	vst v52;
	v62 =	vld.idx.msk [tilespmem:v10+s13+$0x0], $0xffff  }
0xd4: {  	vm14 =	veq.s32 v57, $0x10;
	v63 =	vsel vm13, v2, v59;
	v1 =	vperm.xlane v1, v3;
	[tilespmem:s25+$0x12C40] =	vst v61  }
.Ltmp4:
0xd5: {  	vm15 =	veq.s32 v3, $0x10;
	v3 =	vsel vm14, v2, v60;
	[tilespmem:s25+$0x12C50] =	vst v63;
	(pc) =	sbr.rel @!p0 .LBB2_8-.Ltmp4, $4  }
0xd6: {  	v1 =	vsel vm15, v2, v1;
	[tilespmem:s25+$0x12C60] =	vst v3  }
0xd7: {  	[tilespmem:s25+$0x12C70] =	vst v1  }
0xd8: {  	s22 =	sadd.s32 s22, s6;
	[tilespmem:s25+$0x12C30] =	vst v62  }
0xd9: {  	[hbm4b:s22+s10] =	stream.strided.scatter [tilespmem:s18], [sflag:$0x4], $0x6400, s11, s10, $0x38;
	[tilespmem:$0x19080] =	vst v63  }
.Ltmp5:
0xda: {  	(pc) =	sbr.rel .LBB2_2-.Ltmp5, $3  }
0xdb: {  	_ =	sdelay $0x1  }
0xdc: {  	[tilespmem:s12], [sflag:$0x2] =	stream.strided.gather [hbm4b:s8+s10], $0x6400, s11, s10, $0x38;
	[tilespmem:$0x19080] =	vst v63  }
0xdd: {  	s22 =	simm.s32 $0x100;
	p0 =	por $0x0, $0x0  }
.LBB2_9:
0xde: {  	_ =	sfence.sel $0x180000  }
0xdf: {  	[bflag:$0x0] =	sbarrier.arrive $0xFFFF  }
0xe0: {  	p0 =	sne.s32 s1, $0x0;
	_ =	strace $0x90000047  }
0xe1: {  	s0 =	sadd.s32 @!p0 $0x100000, s0;
	[bflag:$0x2] =	sbarrier.arrive $0xFFFF  }
0xe2: {  	[sflag:s0] =	ssyncadd.tile.s32 @!p0 $0x1;
	_ =	shalt  }
.Lfunc_end2:
_tile_overlayer_lowered:
.L_overlay_start_2:
0xe3: {  	(tag) =	ssettag $0x2  }
0xe4: {  	s0 =	rddreg [dreg:$0x0];
	s2 =	stileid.u32  }
0xe5: {  	s1 =	rddreg [dreg:$0x1];
	p0 =	sne.s32 s2, $0x0  }
0xe6: {  	s3 =	rddreg [dreg:$0x2];
	[bflag:$0x3] =	sbarrier.arrive $0xFFFF;
	s2 =	simm.s32 @!p0 $0x1C05  }
0xe7: {  	[timem:s3], [sflag:s2] =	dma.local @!p0 [hbm:s0], s1  }
0xe8: {  	s0 =	simm.s32 @!p0 $0x5  }
0xe9: {  	_ =	swait.ge @!p0 [sflag:s0], s1  }
0xea: {  	s1 =	ssub.s32 @!p0 $0x0, s1;
	[sflag:s0] =	ssyncset.done @!p0 $0x0  }
0xeb: {  	[sflag:s0] =	ssyncadd.s32 @!p0 s1  }
0xec: {  	[bflag:$0x3] =	sbarrier.arrive $0xFFFF  }
0xed: {  	_ =	shalt  }

</sc_bundles>
